<compile_context>
chip_gen: v7x
topology: tpu7x:2x2x1
jax: 0.10.2.dev20260603
libtpu: 0.0.44.dev20260713+nightly
codegen_flags: <defaults>
</compile_context>

<pallas_src>
import functools

import jax
import jax.numpy as jnp
from jax import lax
from jax.experimental import pallas as pl
from jax.experimental.pallas import tpu as pltpu
from jax.experimental.pallas import tpu_sc as plsc

V = 10000
D = 128
B = 320000

_info = plsc.get_sparse_core_info()
NC, NS = _info.num_cores, _info.num_subcores
NW = NC * NS
B_PER_W = B // NW
C = 80
N_CHUNKS = B_PER_W // C
NBUF = 4
G = (N_CHUNKS - 1) // NBUF
PEEL = 2
SKEW = 2

_mesh = plsc.VectorSubcoreMesh(core_axis_name="c", subcore_axis_name="s")


@functools.partial(
    pl.kernel,
    mesh=_mesh,
    out_type=jax.ShapeDtypeStruct((B, D), jnp.float32),
    scratch_types=[
        pltpu.VMEM((B_PER_W,), jnp.int32),
        pltpu.VMEM((NBUF, C, D), jnp.float32),
        pltpu.VMEM_SHARED((V, D), jnp.float32),
        pltpu.SemaphoreType.DMA,
        pltpu.SemaphoreType.DMA((NBUF,)),
        pltpu.SemaphoreType.DMA((NBUF,)),
        pltpu.SemaphoreType.DMA,
    ],
)
def _gather_sc(x_hbm, idx_hbm, out_hbm, idx_v, rows_v, xs, isem, gsem, ssem,
               xsem):
    sid = lax.axis_index("s")
    wid = sid * NC + lax.axis_index("c")
    base_w = wid * B_PER_W

    RS = 632

    def stage_copy(n):
        r0 = pl.multiple_of(sid * RS, 8) if n == RS else (NS - 1) * RS
        return pltpu.make_async_copy(
            x_hbm.at[pl.ds(r0, n)], xs.at[pl.ds(r0, n)], xsem)

    @pl.when(sid < NS - 1)
    def _():
        stage_copy(RS).start()

    @pl.when(sid == NS - 1)
    def _():
        stage_copy(V - (NS - 1) * RS).start()

    idx_preload = pltpu.make_async_copy(
        idx_hbm.at[pl.ds(B + base_w, B_PER_W)], idx_v, isem)
    idx_preload.start()
    idx_preload.wait()

    def gather_copy(i, b, src):
        ioff = pl.multiple_of(i * C, 8)
        return pltpu.make_async_copy(
            src.at[idx_v.at[pl.ds(ioff, C)]], rows_v.at[b], gsem.at[b])

    def store_copy(i, b):
        off = pl.multiple_of(base_w + i * C, 8)
        return pltpu.make_async_copy(
            rows_v.at[b], out_hbm.at[pl.ds(off, C)], ssem.at[b])

    def ring_stage(g, b, src, first_round):
        i = g * NBUF + b
        if not first_round:
            store_copy(0, b).wait()

        pb = (b - SKEW) % NBUF
        if b >= SKEW or not first_round:
            gather_copy(0, pb, src).wait()
            store_copy(i - SKEW, pb).start()

        gather_copy(i, b, src).start()

    for g in range(PEEL):
        for b in range(NBUF):
            ring_stage(g, b, x_hbm, first_round=(g == 0))

    @pl.when(sid < NS - 1)
    def _():
        stage_copy(RS).wait()

    @pl.when(sid == NS - 1)
    def _():
        stage_copy(V - (NS - 1) * RS).wait()
    plsc.subcore_barrier()

    def outer(g, carry):
        for b in range(NBUF):
            ring_stage(g, b, xs, first_round=False)
        return carry

    lax.fori_loop(PEEL, G, outer, 0)

    gather_copy(0, 2, xs).wait()
    store_copy(N_CHUNKS - 3, 2).start()
    store_copy(0, 0).wait()
    gather_copy(N_CHUNKS - 1, 0, xs).start()
    gather_copy(0, 3, xs).wait()
    store_copy(N_CHUNKS - 2, 3).start()
    gather_copy(0, 0, xs).wait()
    store_copy(N_CHUNKS - 1, 0).start()
    for b in range(1, NBUF):
        store_copy(0, b).wait()
    store_copy(0, 0).wait()


def kernel(x, edge_index):
    return _gather_sc(x, edge_index.reshape(-1))

# --- scband reference (transcript-rebuilt; emitter-appended) ---
"""Pipeline reference for scband-gather-nodes-outgoing-58256936403576 (READ-ONLY COPY).

The authoritative reference and input builder live on the scoring server;
editing this copy changes nothing except your own understanding.
"""

import jax, jax.numpy as jnp
import numpy as np

SELECTION_INDEX = 1
AXIS_INDICES = 0

def setup_inputs(seed: int = 0) -> dict:
    key = jax.random.key(seed)
    k1, k2 = jax.random.split(key)
    x = jax.random.normal(k1, (10000, 128), dtype=jnp.float32)
    edge_index = jax.random.randint(k2, (2, 320000), 0, 10000, dtype=jnp.int64 if jax.config.jax_enable_x64 else jnp.int32).astype(jnp.int32)
    return {"x": x, "edge_index": edge_index}

def reference(x, edge_index):
    # indices_take = ops.take(index, selection_index, axis=axis_indices)
    indices_take = jnp.take(edge_index, SELECTION_INDEX, axis=AXIS_INDICES)
    # return ops.take(x, indices_take, axis=0)
    return jnp.take(x, indices_take, axis=0)

if __name__ == "__main__":
    import jax
    _d = setup_inputs()
    print(jax.jit(kernel)(*tuple(_d.values())))

</pallas_src>

<mosaic_0001>
#map = affine_map<(d0, d1) -> (0, 0)>
#map1 = affine_map<(d0, d1) -> (0)>
module attributes {stable_mosaic.version = 14 : i64} {
  func.func @_gather_sc(%arg0: i32, %arg1: i32, %arg2: memref<10000x128xf32, #tpu.memory_space<hbm>>, %arg3: memref<640000xi32, #tpu.memory_space<hbm>>, %arg4: memref<320000x128xf32, #tpu.memory_space<hbm>>, %arg5: memref<10000xi32, #tpu.memory_space<vmem>>, %arg6: memref<4x80x128xf32, #tpu.memory_space<vmem>>, %arg7: memref<10000x128xf32, #tpu.memory_space<vmem_shared>>, %arg8: memref<!tpu.dma_semaphore, #tpu.memory_space<semaphore_mem>>, %arg9: memref<4x!tpu.dma_semaphore, #tpu.memory_space<semaphore_mem>>, %arg10: memref<4x!tpu.dma_semaphore, #tpu.memory_space<semaphore_mem>>, %arg11: memref<!tpu.dma_semaphore, #tpu.memory_space<semaphore_mem>>) attributes {dimension_semantics = [#tpu.dimension_semantics<core_parallel>, #tpu.dimension_semantics<subcore_parallel>], iteration_bounds = array<i64: 2, 16>, scalar_prefetch = 0 : i64, scratch_operands = 7 : i64, tpu.core_type = #tpu.core_type<sc_vector_subcore>, window_params = [{transform_indices = #map}, {transform_indices = #map1}, {transform_indices = #map}]} {
    %mul3A = arith.constant 2 : i32
    %mul3A_0 = arith.muli %arg1, %mul3A : i32
    %add3A = arith.addi %mul3A_0, %arg0 : i32
    %mul3A_1 = arith.constant 10000 : i32
    %mul3A_2 = arith.muli %add3A, %mul3A_1 : i32
    %lt3A = arith.constant 15 : i32
    %lt3A_3 = arith.cmpi slt, %arg1, %lt3A : i32
    %convert_element_type3A = arith.extui %lt3A_3 : i1 to i32
    %cond3A = arith.constant 0 : i32
    %cond3A_4 = arith.cmpi ne, %convert_element_type3A, %cond3A : i32
    scf.if %cond3A_4 {
      %mul3A_621 = arith.constant 632 : i32
      %mul3A_622 = arith.muli %arg1, %mul3A_621 : i32
      %multiple_of3A_623 = tpu.assume_multiple %mul3A_622, 8 : i32
      %dma_start3A_624 = arith.constant 0 : i32
      %dma_start3A_625 = tpu.memref_slice %arg7[%multiple_of3A_623, %dma_start3A_624] : memref<10000x128xf32, #tpu.memory_space<vmem_shared>> -> memref<632x128xf32, #tpu.memory_space<vmem_shared>>
      %dma_start3A_626 = arith.constant 0 : i32
      %dma_start3A_627 = tpu.memref_slice %arg2[%multiple_of3A_623, %dma_start3A_626] : memref<10000x128xf32, #tpu.memory_space<hbm>> -> memref<632x128xf32, #tpu.memory_space<hbm>>
      tpu.enqueue_dma source(%dma_start3A_627 : memref<632x128xf32, #tpu.memory_space<hbm>>) target(%dma_start3A_625 : memref<632x128xf32, #tpu.memory_space<vmem_shared>>) target_semaphore(%arg11 : memref<!tpu.dma_semaphore, #tpu.memory_space<semaphore_mem>>)
    } else {
    }
    %eq3A = arith.constant 15 : i32
    %eq3A_5 = arith.cmpi eq, %arg1, %eq3A : i32
    %convert_element_type3A_6 = arith.extui %eq3A_5 : i1 to i32
    %cond3A_7 = arith.constant 0 : i32
    %cond3A_8 = arith.cmpi ne, %convert_element_type3A_6, %cond3A_7 : i32
    scf.if %cond3A_8 {
      %dma_start3A_621 = arith.constant 9480 : i32
      %dma_start3A_622 = arith.constant 0 : i32
      %dma_start3A_623 = tpu.memref_slice %arg7[%dma_start3A_621, %dma_start3A_622] : memref<10000x128xf32, #tpu.memory_space<vmem_shared>> -> memref<520x128xf32, #tpu.memory_space<vmem_shared>>
      %dma_start3A_624 = arith.constant 9480 : i32
      %dma_start3A_625 = arith.constant 0 : i32
      %dma_start3A_626 = tpu.memref_slice %arg2[%dma_start3A_624, %dma_start3A_625] : memref<10000x128xf32, #tpu.memory_space<hbm>> -> memref<520x128xf32, #tpu.memory_space<hbm>>
      tpu.enqueue_dma source(%dma_start3A_626 : memref<520x128xf32, #tpu.memory_space<hbm>>) target(%dma_start3A_623 : memref<520x128xf32, #tpu.memory_space<vmem_shared>>) target_semaphore(%arg11 : memref<!tpu.dma_semaphore, #tpu.memory_space<semaphore_mem>>)
    } else {
    }
    %add3A_9 = arith.constant 320000 : i32
    %add3A_10 = arith.addi %add3A_9, %mul3A_2 : i32
    %dma_start3A = tpu.memref_slice %arg3[%add3A_10] : memref<640000xi32, #tpu.memory_space<hbm>> -> memref<10000xi32, #tpu.memory_space<hbm>>
    %dma_start3A_11 = tpu.memref_slice %arg3[%add3A_10] : memref<640000xi32, #tpu.memory_space<hbm>> -> memref<10000xi32, #tpu.memory_space<hbm>>
    tpu.enqueue_dma source(%dma_start3A_11 : memref<10000xi32, #tpu.memory_space<hbm>>) target(%arg5 : memref<10000xi32, #tpu.memory_space<vmem>>) target_semaphore(%arg8 : memref<!tpu.dma_semaphore, #tpu.memory_space<semaphore_mem>>)
    %dma_wait3A = tpu.memref_slice %arg3[%add3A_10] : memref<640000xi32, #tpu.memory_space<hbm>> -> memref<10000xi32, #tpu.memory_space<hbm>>
    %dma_wait3A_12 = tpu.memref_slice %arg3[%add3A_10] : memref<640000xi32, #tpu.memory_space<hbm>> -> memref<10000xi32, #tpu.memory_space<hbm>>
    tpu.wait_dma2 semaphore(%arg8 : memref<!tpu.dma_semaphore, #tpu.memory_space<semaphore_mem>>) src(%dma_wait3A_12 : memref<10000xi32, #tpu.memory_space<hbm>>) dst(%arg5 : memref<10000xi32, #tpu.memory_space<vmem>>)
    %multiple_of3A = arith.constant 0 : i32
    %multiple_of3A_13 = tpu.assume_multiple %multiple_of3A, 8 : i32
    %dma_start3A_14 = arith.constant 0 : i32
    %dma_start3A_15 = arith.constant 0 : i32
    %dma_start3A_16 = arith.constant 0 : i32
    %dma_start3A_17 = arith.constant 0 : i32
    %dma_start3A_18 = tpu.memref_slice %arg6[%dma_start3A_14, %dma_start3A_16, %dma_start3A_17] : memref<4x80x128xf32, #tpu.memory_space<vmem>> -> memref<1x80x128xf32, #tpu.memory_space<vmem>>
    %dma_start3A_19 = tpu.memref_squeeze %dma_start3A_18 : memref<1x80x128xf32, #tpu.memory_space<vmem>> -> memref<80x128xf32, #tpu.memory_space<vmem>>
    %dma_start3A_20 = tpu.memref_slice %arg5[%multiple_of3A_13] : memref<10000xi32, #tpu.memory_space<vmem>> -> memref<80xi32, #tpu.memory_space<vmem>>
    %dma_start3A_21 = arith.constant 0 : i32
    %dma_start3A_22 = arith.constant 0 : i32
    %dma_start3A_23 = tpu.memref_slice %arg2[%dma_start3A_21, %dma_start3A_22] : memref<10000x128xf32, #tpu.memory_space<hbm>> -> memref<10000x128xf32, #tpu.memory_space<hbm>>
    %dma_start3A_24 = tpu.memref_slice %arg9[%dma_start3A_15] : memref<4x!tpu.dma_semaphore, #tpu.memory_space<semaphore_mem>> -> memref<1x!tpu.dma_semaphore, #tpu.memory_space<semaphore_mem>>
    %dma_start3A_25 = tpu.memref_squeeze %dma_start3A_24 : memref<1x!tpu.dma_semaphore, #tpu.memory_space<semaphore_mem>> -> memref<!tpu.dma_semaphore, #tpu.memory_space<semaphore_mem>>
    tpu.enqueue_indirect_dma source(%dma_start3A_23 : memref<10000x128xf32, #tpu.memory_space<hbm>>) target(%dma_start3A_19 : memref<80x128xf32, #tpu.memory_space<vmem>>) offsets(%dma_start3A_20 : memref<80xi32, #tpu.memory_space<vmem>>) semaphore(%dma_start3A_25 : memref<!tpu.dma_semaphore, #tpu.memory_space<semaphore_mem>>)
    %multiple_of3A_26 = arith.constant 80 : i32
    %multiple_of3A_27 = tpu.assume_multiple %multiple_of3A_26, 8 : i32
    %dma_start3A_28 = arith.constant 1 : i32
    %dma_start3A_29 = arith.constant 1 : i32
    %dma_start3A_30 = arith.constant 0 : i32
    %dma_start3A_31 = arith.constant 0 : i32
    %dma_start3A_32 = tpu.memref_slice %arg6[%dma_start3A_28, %dma_start3A_30, %dma_start3A_31] : memref<4x80x128xf32, #tpu.memory_space<vmem>> -> memref<1x80x128xf32, #tpu.memory_space<vmem>>
    %dma_start3A_33 = tpu.memref_squeeze %dma_start3A_32 : memref<1x80x128xf32, #tpu.memory_space<vmem>> -> memref<80x128xf32, #tpu.memory_space<vmem>>
    %dma_start3A_34 = tpu.memref_slice %arg5[%multiple_of3A_27] : memref<10000xi32, #tpu.memory_space<vmem>> -> memref<80xi32, #tpu.memory_space<vmem>>
    %dma_start3A_35 = arith.constant 0 : i32
    %dma_start3A_36 = arith.constant 0 : i32
    %dma_start3A_37 = tpu.memref_slice %arg2[%dma_start3A_35, %dma_start3A_36] : memref<10000x128xf32, #tpu.memory_space<hbm>> -> memref<10000x128xf32, #tpu.memory_space<hbm>>
    %dma_start3A_38 = tpu.memref_slice %arg9[%dma_start3A_29] : memref<4x!tpu.dma_semaphore, #tpu.memory_space<semaphore_mem>> -> memref<1x!tpu.dma_semaphore, #tpu.memory_space<semaphore_mem>>
    %dma_start3A_39 = tpu.memref_squeeze %dma_start3A_38 : memref<1x!tpu.dma_semaphore, #tpu.memory_space<semaphore_mem>> -> memref<!tpu.dma_semaphore, #tpu.memory_space<semaphore_mem>>
    tpu.enqueue_indirect_dma source(%dma_start3A_37 : memref<10000x128xf32, #tpu.memory_space<hbm>>) target(%dma_start3A_33 : memref<80x128xf32, #tpu.memory_space<vmem>>) offsets(%dma_start3A_34 : memref<80xi32, #tpu.memory_space<vmem>>) semaphore(%dma_start3A_39 : memref<!tpu.dma_semaphore, #tpu.memory_space<semaphore_mem>>)
    %multiple_of3A_40 = arith.constant 0 : i32
    %multiple_of3A_41 = tpu.assume_multiple %multiple_of3A_40, 8 : i32
    %dma_wait3A_42 = arith.constant 0 : i32
    %dma_wait3A_43 = arith.constant 0 : i32
    %dma_wait3A_44 = arith.constant 0 : i32
    %dma_wait3A_45 = arith.constant 0 : i32
    %dma_wait3A_46 = tpu.memref_slice %arg6[%dma_wait3A_42, %dma_wait3A_44, %dma_wait3A_45] : memref<4x80x128xf32, #tpu.memory_space<vmem>> -> memref<1x80x128xf32, #tpu.memory_space<vmem>>
    %dma_wait3A_47 = tpu.memref_squeeze %dma_wait3A_46 : memref<1x80x128xf32, #tpu.memory_space<vmem>> -> memref<80x128xf32, #tpu.memory_space<vmem>>
    %dma_wait3A_48 = tpu.memref_slice %arg5[%multiple_of3A_41] : memref<10000xi32, #tpu.memory_space<vmem>> -> memref<80xi32, #tpu.memory_space<vmem>>
    %dma_wait3A_49 = arith.constant 0 : i32
    %dma_wait3A_50 = arith.constant 0 : i32
    %dma_wait3A_51 = tpu.memref_slice %arg2[%dma_wait3A_49, %dma_wait3A_50] : memref<10000x128xf32, #tpu.memory_space<hbm>> -> memref<10000x128xf32, #tpu.memory_space<hbm>>
    %dma_wait3A_52 = tpu.memref_slice %arg9[%dma_wait3A_43] : memref<4x!tpu.dma_semaphore, #tpu.memory_space<semaphore_mem>> -> memref<1x!tpu.dma_semaphore, #tpu.memory_space<semaphore_mem>>
    %dma_wait3A_53 = tpu.memref_squeeze %dma_wait3A_52 : memref<1x!tpu.dma_semaphore, #tpu.memory_space<semaphore_mem>> -> memref<!tpu.dma_semaphore, #tpu.memory_space<semaphore_mem>>
    tpu.wait_indirect_dma semaphore(%dma_wait3A_53 : memref<!tpu.dma_semaphore, #tpu.memory_space<semaphore_mem>>) src(%dma_wait3A_51 : memref<10000x128xf32, #tpu.memory_space<hbm>>) dst(%dma_wait3A_47 : memref<80x128xf32, #tpu.memory_space<vmem>>)
    %add3A_54 = arith.constant 0 : i32
    %add3A_55 = arith.addi %mul3A_2, %add3A_54 : i32
    %multiple_of3A_56 = tpu.assume_multiple %add3A_55, 8 : i32
    %dma_start3A_57 = arith.constant 0 : i32
    %dma_start3A_58 = arith.constant 0 : i32
    %dma_start3A_59 = arith.constant 0 : i32
    %dma_start3A_60 = arith.constant 0 : i32
    %dma_start3A_61 = tpu.memref_slice %arg6[%dma_start3A_57, %dma_start3A_59, %dma_start3A_60] : memref<4x80x128xf32, #tpu.memory_space<vmem>> -> memref<1x80x128xf32, #tpu.memory_space<vmem>>
    %dma_start3A_62 = tpu.memref_squeeze %dma_start3A_61 : memref<1x80x128xf32, #tpu.memory_space<vmem>> -> memref<80x128xf32, #tpu.memory_space<vmem>>
    %dma_start3A_63 = arith.constant 0 : i32
    %dma_start3A_64 = tpu.memref_slice %arg4[%multiple_of3A_56, %dma_start3A_63] : memref<320000x128xf32, #tpu.memory_space<hbm>> -> memref<80x128xf32, #tpu.memory_space<hbm>>
    %dma_start3A_65 = tpu.memref_slice %arg10[%dma_start3A_58] : memref<4x!tpu.dma_semaphore, #tpu.memory_space<semaphore_mem>> -> memref<1x!tpu.dma_semaphore, #tpu.memory_space<semaphore_mem>>
    %dma_start3A_66 = tpu.memref_squeeze %dma_start3A_65 : memref<1x!tpu.dma_semaphore, #tpu.memory_space<semaphore_mem>> -> memref<!tpu.dma_semaphore, #tpu.memory_space<semaphore_mem>>
    %dma_start3A_67 = arith.constant 0 : i32
    %dma_start3A_68 = tpu.memref_slice %arg4[%multiple_of3A_56, %dma_start3A_67] : memref<320000x128xf32, #tpu.memory_space<hbm>> -> memref<80x128xf32, #tpu.memory_space<hbm>>
    %dma_start3A_69 = arith.constant 0 : i32
    %dma_start3A_70 = arith.constant 0 : i32
    %dma_start3A_71 = tpu.memref_slice %arg6[%dma_start3A_57, %dma_start3A_69, %dma_start3A_70] : memref<4x80x128xf32, #tpu.memory_space<vmem>> -> memref<1x80x128xf32, #tpu.memory_space<vmem>>
    %dma_start3A_72 = tpu.memref_squeeze %dma_start3A_71 : memref<1x80x128xf32, #tpu.memory_space<vmem>> -> memref<80x128xf32, #tpu.memory_space<vmem>>
    tpu.enqueue_dma source(%dma_start3A_72 : memref<80x128xf32, #tpu.memory_space<vmem>>) target(%dma_start3A_68 : memref<80x128xf32, #tpu.memory_space<hbm>>) target_semaphore(%dma_start3A_66 : memref<!tpu.dma_semaphore, #tpu.memory_space<semaphore_mem>>)
    %multiple_of3A_73 = arith.constant 160 : i32
    %multiple_of3A_74 = tpu.assume_multiple %multiple_of3A_73, 8 : i32
    %dma_start3A_75 = arith.constant 2 : i32
    %dma_start3A_76 = arith.constant 2 : i32
    %dma_start3A_77 = arith.constant 0 : i32
    %dma_start3A_78 = arith.constant 0 : i32
    %dma_start3A_79 = tpu.memref_slice %arg6[%dma_start3A_75, %dma_start3A_77, %dma_start3A_78] : memref<4x80x128xf32, #tpu.memory_space<vmem>> -> memref<1x80x128xf32, #tpu.memory_space<vmem>>
    %dma_start3A_80 = tpu.memref_squeeze %dma_start3A_79 : memref<1x80x128xf32, #tpu.memory_space<vmem>> -> memref<80x128xf32, #tpu.memory_space<vmem>>
    %dma_start3A_81 = tpu.memref_slice %arg5[%multiple_of3A_74] : memref<10000xi32, #tpu.memory_space<vmem>> -> memref<80xi32, #tpu.memory_space<vmem>>
    %dma_start3A_82 = arith.constant 0 : i32
    %dma_start3A_83 = arith.constant 0 : i32
    %dma_start3A_84 = tpu.memref_slice %arg2[%dma_start3A_82, %dma_start3A_83] : memref<10000x128xf32, #tpu.memory_space<hbm>> -> memref<10000x128xf32, #tpu.memory_space<hbm>>
    %dma_start3A_85 = tpu.memref_slice %arg9[%dma_start3A_76] : memref<4x!tpu.dma_semaphore, #tpu.memory_space<semaphore_mem>> -> memref<1x!tpu.dma_semaphore, #tpu.memory_space<semaphore_mem>>
    %dma_start3A_86 = tpu.memref_squeeze %dma_start3A_85 : memref<1x!tpu.dma_semaphore, #tpu.memory_space<semaphore_mem>> -> memref<!tpu.dma_semaphore, #tpu.memory_space<semaphore_mem>>
    tpu.enqueue_indirect_dma source(%dma_start3A_84 : memref<10000x128xf32, #tpu.memory_space<hbm>>) target(%dma_start3A_80 : memref<80x128xf32, #tpu.memory_space<vmem>>) offsets(%dma_start3A_81 : memref<80xi32, #tpu.memory_space<vmem>>) semaphore(%dma_start3A_86 : memref<!tpu.dma_semaphore, #tpu.memory_space<semaphore_mem>>)
    %multiple_of3A_87 = arith.constant 0 : i32
    %multiple_of3A_88 = tpu.assume_multiple %multiple_of3A_87, 8 : i32
    %dma_wait3A_89 = arith.constant 1 : i32
    %dma_wait3A_90 = arith.constant 1 : i32
    %dma_wait3A_91 = arith.constant 0 : i32
    %dma_wait3A_92 = arith.constant 0 : i32
    %dma_wait3A_93 = tpu.memref_slice %arg6[%dma_wait3A_89, %dma_wait3A_91, %dma_wait3A_92] : memref<4x80x128xf32, #tpu.memory_space<vmem>> -> memref<1x80x128xf32, #tpu.memory_space<vmem>>
    %dma_wait3A_94 = tpu.memref_squeeze %dma_wait3A_93 : memref<1x80x128xf32, #tpu.memory_space<vmem>> -> memref<80x128xf32, #tpu.memory_space<vmem>>
    %dma_wait3A_95 = tpu.memref_slice %arg5[%multiple_of3A_88] : memref<10000xi32, #tpu.memory_space<vmem>> -> memref<80xi32, #tpu.memory_space<vmem>>
    %dma_wait3A_96 = arith.constant 0 : i32
    %dma_wait3A_97 = arith.constant 0 : i32
    %dma_wait3A_98 = tpu.memref_slice %arg2[%dma_wait3A_96, %dma_wait3A_97] : memref<10000x128xf32, #tpu.memory_space<hbm>> -> memref<10000x128xf32, #tpu.memory_space<hbm>>
    %dma_wait3A_99 = tpu.memref_slice %arg9[%dma_wait3A_90] : memref<4x!tpu.dma_semaphore, #tpu.memory_space<semaphore_mem>> -> memref<1x!tpu.dma_semaphore, #tpu.memory_space<semaphore_mem>>
    %dma_wait3A_100 = tpu.memref_squeeze %dma_wait3A_99 : memref<1x!tpu.dma_semaphore, #tpu.memory_space<semaphore_mem>> -> memref<!tpu.dma_semaphore, #tpu.memory_space<semaphore_mem>>
    tpu.wait_indirect_dma semaphore(%dma_wait3A_100 : memref<!tpu.dma_semaphore, #tpu.memory_space<semaphore_mem>>) src(%dma_wait3A_98 : memref<10000x128xf32, #tpu.memory_space<hbm>>) dst(%dma_wait3A_94 : memref<80x128xf32, #tpu.memory_space<vmem>>)
    %add3A_101 = arith.constant 80 : i32
    %add3A_102 = arith.addi %mul3A_2, %add3A_101 : i32
    %multiple_of3A_103 = tpu.assume_multiple %add3A_102, 8 : i32
    %dma_start3A_104 = arith.constant 1 : i32
    %dma_start3A_105 = arith.constant 1 : i32
    %dma_start3A_106 = arith.constant 0 : i32
    %dma_start3A_107 = arith.constant 0 : i32
    %dma_start3A_108 = tpu.memref_slice %arg6[%dma_start3A_104, %dma_start3A_106, %dma_start3A_107] : memref<4x80x128xf32, #tpu.memory_space<vmem>> -> memref<1x80x128xf32, #tpu.memory_space<vmem>>
    %dma_start3A_109 = tpu.memref_squeeze %dma_start3A_108 : memref<1x80x128xf32, #tpu.memory_space<vmem>> -> memref<80x128xf32, #tpu.memory_space<vmem>>
    %dma_start3A_110 = arith.constant 0 : i32
    %dma_start3A_111 = tpu.memref_slice %arg4[%multiple_of3A_103, %dma_start3A_110] : memref<320000x128xf32, #tpu.memory_space<hbm>> -> memref<80x128xf32, #tpu.memory_space<hbm>>
    %dma_start3A_112 = tpu.memref_slice %arg10[%dma_start3A_105] : memref<4x!tpu.dma_semaphore, #tpu.memory_space<semaphore_mem>> -> memref<1x!tpu.dma_semaphore, #tpu.memory_space<semaphore_mem>>
    %dma_start3A_113 = tpu.memref_squeeze %dma_start3A_112 : memref<1x!tpu.dma_semaphore, #tpu.memory_space<semaphore_mem>> -> memref<!tpu.dma_semaphore, #tpu.memory_space<semaphore_mem>>
    %dma_start3A_114 = arith.constant 0 : i32
    %dma_start3A_115 = tpu.memref_slice %arg4[%multiple_of3A_103, %dma_start3A_114] : memref<320000x128xf32, #tpu.memory_space<hbm>> -> memref<80x128xf32, #tpu.memory_space<hbm>>
    %dma_start3A_116 = arith.constant 0 : i32
    %dma_start3A_117 = arith.constant 0 : i32
    %dma_start3A_118 = tpu.memref_slice %arg6[%dma_start3A_104, %dma_start3A_116, %dma_start3A_117] : memref<4x80x128xf32, #tpu.memory_space<vmem>> -> memref<1x80x128xf32, #tpu.memory_space<vmem>>
    %dma_start3A_119 = tpu.memref_squeeze %dma_start3A_118 : memref<1x80x128xf32, #tpu.memory_space<vmem>> -> memref<80x128xf32, #tpu.memory_space<vmem>>
    tpu.enqueue_dma source(%dma_start3A_119 : memref<80x128xf32, #tpu.memory_space<vmem>>) target(%dma_start3A_115 : memref<80x128xf32, #tpu.memory_space<hbm>>) target_semaphore(%dma_start3A_113 : memref<!tpu.dma_semaphore, #tpu.memory_space<semaphore_mem>>)
    %multiple_of3A_120 = arith.constant 240 : i32
    %multiple_of3A_121 = tpu.assume_multiple %multiple_of3A_120, 8 : i32
    %dma_start3A_122 = arith.constant 3 : i32
    %dma_start3A_123 = arith.constant 3 : i32
    %dma_start3A_124 = arith.constant 0 : i32
    %dma_start3A_125 = arith.constant 0 : i32
    %dma_start3A_126 = tpu.memref_slice %arg6[%dma_start3A_122, %dma_start3A_124, %dma_start3A_125] : memref<4x80x128xf32, #tpu.memory_space<vmem>> -> memref<1x80x128xf32, #tpu.memory_space<vmem>>
    %dma_start3A_127 = tpu.memref_squeeze %dma_start3A_126 : memref<1x80x128xf32, #tpu.memory_space<vmem>> -> memref<80x128xf32, #tpu.memory_space<vmem>>
    %dma_start3A_128 = tpu.memref_slice %arg5[%multiple_of3A_121] : memref<10000xi32, #tpu.memory_space<vmem>> -> memref<80xi32, #tpu.memory_space<vmem>>
    %dma_start3A_129 = arith.constant 0 : i32
    %dma_start3A_130 = arith.constant 0 : i32
    %dma_start3A_131 = tpu.memref_slice %arg2[%dma_start3A_129, %dma_start3A_130] : memref<10000x128xf32, #tpu.memory_space<hbm>> -> memref<10000x128xf32, #tpu.memory_space<hbm>>
    %dma_start3A_132 = tpu.memref_slice %arg9[%dma_start3A_123] : memref<4x!tpu.dma_semaphore, #tpu.memory_space<semaphore_mem>> -> memref<1x!tpu.dma_semaphore, #tpu.memory_space<semaphore_mem>>
    %dma_start3A_133 = tpu.memref_squeeze %dma_start3A_132 : memref<1x!tpu.dma_semaphore, #tpu.memory_space<semaphore_mem>> -> memref<!tpu.dma_semaphore, #tpu.memory_space<semaphore_mem>>
    tpu.enqueue_indirect_dma source(%dma_start3A_131 : memref<10000x128xf32, #tpu.memory_space<hbm>>) target(%dma_start3A_127 : memref<80x128xf32, #tpu.memory_space<vmem>>) offsets(%dma_start3A_128 : memref<80xi32, #tpu.memory_space<vmem>>) semaphore(%dma_start3A_133 : memref<!tpu.dma_semaphore, #tpu.memory_space<semaphore_mem>>)
    %add3A_134 = arith.constant 0 : i32
    %add3A_135 = arith.addi %mul3A_2, %add3A_134 : i32
    %multiple_of3A_136 = tpu.assume_multiple %add3A_135, 8 : i32
    %dma_wait3A_137 = arith.constant 0 : i32
    %dma_wait3A_138 = arith.constant 0 : i32
    %dma_wait3A_139 = arith.constant 0 : i32
    %dma_wait3A_140 = arith.constant 0 : i32
    %dma_wait3A_141 = tpu.memref_slice %arg6[%dma_wait3A_137, %dma_wait3A_139, %dma_wait3A_140] : memref<4x80x128xf32, #tpu.memory_space<vmem>> -> memref<1x80x128xf32, #tpu.memory_space<vmem>>
    %dma_wait3A_142 = tpu.memref_squeeze %dma_wait3A_141 : memref<1x80x128xf32, #tpu.memory_space<vmem>> -> memref<80x128xf32, #tpu.memory_space<vmem>>
    %dma_wait3A_143 = arith.constant 0 : i32
    %dma_wait3A_144 = tpu.memref_slice %arg4[%multiple_of3A_136, %dma_wait3A_143] : memref<320000x128xf32, #tpu.memory_space<hbm>> -> memref<80x128xf32, #tpu.memory_space<hbm>>
    %dma_wait3A_145 = tpu.memref_slice %arg10[%dma_wait3A_138] : memref<4x!tpu.dma_semaphore, #tpu.memory_space<semaphore_mem>> -> memref<1x!tpu.dma_semaphore, #tpu.memory_space<semaphore_mem>>
    %dma_wait3A_146 = tpu.memref_squeeze %dma_wait3A_145 : memref<1x!tpu.dma_semaphore, #tpu.memory_space<semaphore_mem>> -> memref<!tpu.dma_semaphore, #tpu.memory_space<semaphore_mem>>
    %dma_wait3A_147 = arith.constant 0 : i32
    %dma_wait3A_148 = tpu.memref_slice %arg4[%multiple_of3A_136, %dma_wait3A_147] : memref<320000x128xf32, #tpu.memory_space<hbm>> -> memref<80x128xf32, #tpu.memory_space<hbm>>
    %dma_wait3A_149 = arith.constant 0 : i32
    %dma_wait3A_150 = arith.constant 0 : i32
    %dma_wait3A_151 = tpu.memref_slice %arg6[%dma_wait3A_137, %dma_wait3A_149, %dma_wait3A_150] : memref<4x80x128xf32, #tpu.memory_space<vmem>> -> memref<1x80x128xf32, #tpu.memory_space<vmem>>
    %dma_wait3A_152 = tpu.memref_squeeze %dma_wait3A_151 : memref<1x80x128xf32, #tpu.memory_space<vmem>> -> memref<80x128xf32, #tpu.memory_space<vmem>>
    tpu.wait_dma2 semaphore(%dma_wait3A_146 : memref<!tpu.dma_semaphore, #tpu.memory_space<semaphore_mem>>) src(%dma_wait3A_152 : memref<80x128xf32, #tpu.memory_space<vmem>>) dst(%dma_wait3A_148 : memref<80x128xf32, #tpu.memory_space<hbm>>)
    %multiple_of3A_153 = arith.constant 0 : i32
    %multiple_of3A_154 = tpu.assume_multiple %multiple_of3A_153, 8 : i32
    %dma_wait3A_155 = arith.constant 2 : i32
    %dma_wait3A_156 = arith.constant 2 : i32
    %dma_wait3A_157 = arith.constant 0 : i32
    %dma_wait3A_158 = arith.constant 0 : i32
    %dma_wait3A_159 = tpu.memref_slice %arg6[%dma_wait3A_155, %dma_wait3A_157, %dma_wait3A_158] : memref<4x80x128xf32, #tpu.memory_space<vmem>> -> memref<1x80x128xf32, #tpu.memory_space<vmem>>
    %dma_wait3A_160 = tpu.memref_squeeze %dma_wait3A_159 : memref<1x80x128xf32, #tpu.memory_space<vmem>> -> memref<80x128xf32, #tpu.memory_space<vmem>>
    %dma_wait3A_161 = tpu.memref_slice %arg5[%multiple_of3A_154] : memref<10000xi32, #tpu.memory_space<vmem>> -> memref<80xi32, #tpu.memory_space<vmem>>
    %dma_wait3A_162 = arith.constant 0 : i32
    %dma_wait3A_163 = arith.constant 0 : i32
    %dma_wait3A_164 = tpu.memref_slice %arg2[%dma_wait3A_162, %dma_wait3A_163] : memref<10000x128xf32, #tpu.memory_space<hbm>> -> memref<10000x128xf32, #tpu.memory_space<hbm>>
    %dma_wait3A_165 = tpu.memref_slice %arg9[%dma_wait3A_156] : memref<4x!tpu.dma_semaphore, #tpu.memory_space<semaphore_mem>> -> memref<1x!tpu.dma_semaphore, #tpu.memory_space<semaphore_mem>>
    %dma_wait3A_166 = tpu.memref_squeeze %dma_wait3A_165 : memref<1x!tpu.dma_semaphore, #tpu.memory_space<semaphore_mem>> -> memref<!tpu.dma_semaphore, #tpu.memory_space<semaphore_mem>>
    tpu.wait_indirect_dma semaphore(%dma_wait3A_166 : memref<!tpu.dma_semaphore, #tpu.memory_space<semaphore_mem>>) src(%dma_wait3A_164 : memref<10000x128xf32, #tpu.memory_space<hbm>>) dst(%dma_wait3A_160 : memref<80x128xf32, #tpu.memory_space<vmem>>)
    %add3A_167 = arith.constant 160 : i32
    %add3A_168 = arith.addi %mul3A_2, %add3A_167 : i32
    %multiple_of3A_169 = tpu.assume_multiple %add3A_168, 8 : i32
    %dma_start3A_170 = arith.constant 2 : i32
    %dma_start3A_171 = arith.constant 2 : i32
    %dma_start3A_172 = arith.constant 0 : i32
    %dma_start3A_173 = arith.constant 0 : i32
    %dma_start3A_174 = tpu.memref_slice %arg6[%dma_start3A_170, %dma_start3A_172, %dma_start3A_173] : memref<4x80x128xf32, #tpu.memory_space<vmem>> -> memref<1x80x128xf32, #tpu.memory_space<vmem>>
    %dma_start3A_175 = tpu.memref_squeeze %dma_start3A_174 : memref<1x80x128xf32, #tpu.memory_space<vmem>> -> memref<80x128xf32, #tpu.memory_space<vmem>>
    %dma_start3A_176 = arith.constant 0 : i32
    %dma_start3A_177 = tpu.memref_slice %arg4[%multiple_of3A_169, %dma_start3A_176] : memref<320000x128xf32, #tpu.memory_space<hbm>> -> memref<80x128xf32, #tpu.memory_space<hbm>>
    %dma_start3A_178 = tpu.memref_slice %arg10[%dma_start3A_171] : memref<4x!tpu.dma_semaphore, #tpu.memory_space<semaphore_mem>> -> memref<1x!tpu.dma_semaphore, #tpu.memory_space<semaphore_mem>>
    %dma_start3A_179 = tpu.memref_squeeze %dma_start3A_178 : memref<1x!tpu.dma_semaphore, #tpu.memory_space<semaphore_mem>> -> memref<!tpu.dma_semaphore, #tpu.memory_space<semaphore_mem>>
    %dma_start3A_180 = arith.constant 0 : i32
    %dma_start3A_181 = tpu.memref_slice %arg4[%multiple_of3A_169, %dma_start3A_180] : memref<320000x128xf32, #tpu.memory_space<hbm>> -> memref<80x128xf32, #tpu.memory_space<hbm>>
    %dma_start3A_182 = arith.constant 0 : i32
    %dma_start3A_183 = arith.constant 0 : i32
    %dma_start3A_184 = tpu.memref_slice %arg6[%dma_start3A_170, %dma_start3A_182, %dma_start3A_183] : memref<4x80x128xf32, #tpu.memory_space<vmem>> -> memref<1x80x128xf32, #tpu.memory_space<vmem>>
    %dma_start3A_185 = tpu.memref_squeeze %dma_start3A_184 : memref<1x80x128xf32, #tpu.memory_space<vmem>> -> memref<80x128xf32, #tpu.memory_space<vmem>>
    tpu.enqueue_dma source(%dma_start3A_185 : memref<80x128xf32, #tpu.memory_space<vmem>>) target(%dma_start3A_181 : memref<80x128xf32, #tpu.memory_space<hbm>>) target_semaphore(%dma_start3A_179 : memref<!tpu.dma_semaphore, #tpu.memory_space<semaphore_mem>>)
    %multiple_of3A_186 = arith.constant 320 : i32
    %multiple_of3A_187 = tpu.assume_multiple %multiple_of3A_186, 8 : i32
    %dma_start3A_188 = arith.constant 0 : i32
    %dma_start3A_189 = arith.constant 0 : i32
    %dma_start3A_190 = arith.constant 0 : i32
    %dma_start3A_191 = arith.constant 0 : i32
    %dma_start3A_192 = tpu.memref_slice %arg6[%dma_start3A_188, %dma_start3A_190, %dma_start3A_191] : memref<4x80x128xf32, #tpu.memory_space<vmem>> -> memref<1x80x128xf32, #tpu.memory_space<vmem>>
    %dma_start3A_193 = tpu.memref_squeeze %dma_start3A_192 : memref<1x80x128xf32, #tpu.memory_space<vmem>> -> memref<80x128xf32, #tpu.memory_space<vmem>>
    %dma_start3A_194 = tpu.memref_slice %arg5[%multiple_of3A_187] : memref<10000xi32, #tpu.memory_space<vmem>> -> memref<80xi32, #tpu.memory_space<vmem>>
    %dma_start3A_195 = arith.constant 0 : i32
    %dma_start3A_196 = arith.constant 0 : i32
    %dma_start3A_197 = tpu.memref_slice %arg2[%dma_start3A_195, %dma_start3A_196] : memref<10000x128xf32, #tpu.memory_space<hbm>> -> memref<10000x128xf32, #tpu.memory_space<hbm>>
    %dma_start3A_198 = tpu.memref_slice %arg9[%dma_start3A_189] : memref<4x!tpu.dma_semaphore, #tpu.memory_space<semaphore_mem>> -> memref<1x!tpu.dma_semaphore, #tpu.memory_space<semaphore_mem>>
    %dma_start3A_199 = tpu.memref_squeeze %dma_start3A_198 : memref<1x!tpu.dma_semaphore, #tpu.memory_space<semaphore_mem>> -> memref<!tpu.dma_semaphore, #tpu.memory_space<semaphore_mem>>
    tpu.enqueue_indirect_dma source(%dma_start3A_197 : memref<10000x128xf32, #tpu.memory_space<hbm>>) target(%dma_start3A_193 : memref<80x128xf32, #tpu.memory_space<vmem>>) offsets(%dma_start3A_194 : memref<80xi32, #tpu.memory_space<vmem>>) semaphore(%dma_start3A_199 : memref<!tpu.dma_semaphore, #tpu.memory_space<semaphore_mem>>)
    %add3A_200 = arith.constant 0 : i32
    %add3A_201 = arith.addi %mul3A_2, %add3A_200 : i32
    %multiple_of3A_202 = tpu.assume_multiple %add3A_201, 8 : i32
    %dma_wait3A_203 = arith.constant 1 : i32
    %dma_wait3A_204 = arith.constant 1 : i32
    %dma_wait3A_205 = arith.constant 0 : i32
    %dma_wait3A_206 = arith.constant 0 : i32
    %dma_wait3A_207 = tpu.memref_slice %arg6[%dma_wait3A_203, %dma_wait3A_205, %dma_wait3A_206] : memref<4x80x128xf32, #tpu.memory_space<vmem>> -> memref<1x80x128xf32, #tpu.memory_space<vmem>>
    %dma_wait3A_208 = tpu.memref_squeeze %dma_wait3A_207 : memref<1x80x128xf32, #tpu.memory_space<vmem>> -> memref<80x128xf32, #tpu.memory_space<vmem>>
    %dma_wait3A_209 = arith.constant 0 : i32
    %dma_wait3A_210 = tpu.memref_slice %arg4[%multiple_of3A_202, %dma_wait3A_209] : memref<320000x128xf32, #tpu.memory_space<hbm>> -> memref<80x128xf32, #tpu.memory_space<hbm>>
    %dma_wait3A_211 = tpu.memref_slice %arg10[%dma_wait3A_204] : memref<4x!tpu.dma_semaphore, #tpu.memory_space<semaphore_mem>> -> memref<1x!tpu.dma_semaphore, #tpu.memory_space<semaphore_mem>>
    %dma_wait3A_212 = tpu.memref_squeeze %dma_wait3A_211 : memref<1x!tpu.dma_semaphore, #tpu.memory_space<semaphore_mem>> -> memref<!tpu.dma_semaphore, #tpu.memory_space<semaphore_mem>>
    %dma_wait3A_213 = arith.constant 0 : i32
    %dma_wait3A_214 = tpu.memref_slice %arg4[%multiple_of3A_202, %dma_wait3A_213] : memref<320000x128xf32, #tpu.memory_space<hbm>> -> memref<80x128xf32, #tpu.memory_space<hbm>>
    %dma_wait3A_215 = arith.constant 0 : i32
    %dma_wait3A_216 = arith.constant 0 : i32
    %dma_wait3A_217 = tpu.memref_slice %arg6[%dma_wait3A_203, %dma_wait3A_215, %dma_wait3A_216] : memref<4x80x128xf32, #tpu.memory_space<vmem>> -> memref<1x80x128xf32, #tpu.memory_space<vmem>>
    %dma_wait3A_218 = tpu.memref_squeeze %dma_wait3A_217 : memref<1x80x128xf32, #tpu.memory_space<vmem>> -> memref<80x128xf32, #tpu.memory_space<vmem>>
    tpu.wait_dma2 semaphore(%dma_wait3A_212 : memref<!tpu.dma_semaphore, #tpu.memory_space<semaphore_mem>>) src(%dma_wait3A_218 : memref<80x128xf32, #tpu.memory_space<vmem>>) dst(%dma_wait3A_214 : memref<80x128xf32, #tpu.memory_space<hbm>>)
    %multiple_of3A_219 = arith.constant 0 : i32
    %multiple_of3A_220 = tpu.assume_multiple %multiple_of3A_219, 8 : i32
    %dma_wait3A_221 = arith.constant 3 : i32
    %dma_wait3A_222 = arith.constant 3 : i32
    %dma_wait3A_223 = arith.constant 0 : i32
    %dma_wait3A_224 = arith.constant 0 : i32
    %dma_wait3A_225 = tpu.memref_slice %arg6[%dma_wait3A_221, %dma_wait3A_223, %dma_wait3A_224] : memref<4x80x128xf32, #tpu.memory_space<vmem>> -> memref<1x80x128xf32, #tpu.memory_space<vmem>>
    %dma_wait3A_226 = tpu.memref_squeeze %dma_wait3A_225 : memref<1x80x128xf32, #tpu.memory_space<vmem>> -> memref<80x128xf32, #tpu.memory_space<vmem>>
    %dma_wait3A_227 = tpu.memref_slice %arg5[%multiple_of3A_220] : memref<10000xi32, #tpu.memory_space<vmem>> -> memref<80xi32, #tpu.memory_space<vmem>>
    %dma_wait3A_228 = arith.constant 0 : i32
    %dma_wait3A_229 = arith.constant 0 : i32
    %dma_wait3A_230 = tpu.memref_slice %arg2[%dma_wait3A_228, %dma_wait3A_229] : memref<10000x128xf32, #tpu.memory_space<hbm>> -> memref<10000x128xf32, #tpu.memory_space<hbm>>
    %dma_wait3A_231 = tpu.memref_slice %arg9[%dma_wait3A_222] : memref<4x!tpu.dma_semaphore, #tpu.memory_space<semaphore_mem>> -> memref<1x!tpu.dma_semaphore, #tpu.memory_space<semaphore_mem>>
    %dma_wait3A_232 = tpu.memref_squeeze %dma_wait3A_231 : memref<1x!tpu.dma_semaphore, #tpu.memory_space<semaphore_mem>> -> memref<!tpu.dma_semaphore, #tpu.memory_space<semaphore_mem>>
    tpu.wait_indirect_dma semaphore(%dma_wait3A_232 : memref<!tpu.dma_semaphore, #tpu.memory_space<semaphore_mem>>) src(%dma_wait3A_230 : memref<10000x128xf32, #tpu.memory_space<hbm>>) dst(%dma_wait3A_226 : memref<80x128xf32, #tpu.memory_space<vmem>>)
    %add3A_233 = arith.constant 240 : i32
    %add3A_234 = arith.addi %mul3A_2, %add3A_233 : i32
    %multiple_of3A_235 = tpu.assume_multiple %add3A_234, 8 : i32
    %dma_start3A_236 = arith.constant 3 : i32
    %dma_start3A_237 = arith.constant 3 : i32
    %dma_start3A_238 = arith.constant 0 : i32
    %dma_start3A_239 = arith.constant 0 : i32
    %dma_start3A_240 = tpu.memref_slice %arg6[%dma_start3A_236, %dma_start3A_238, %dma_start3A_239] : memref<4x80x128xf32, #tpu.memory_space<vmem>> -> memref<1x80x128xf32, #tpu.memory_space<vmem>>
    %dma_start3A_241 = tpu.memref_squeeze %dma_start3A_240 : memref<1x80x128xf32, #tpu.memory_space<vmem>> -> memref<80x128xf32, #tpu.memory_space<vmem>>
    %dma_start3A_242 = arith.constant 0 : i32
    %dma_start3A_243 = tpu.memref_slice %arg4[%multiple_of3A_235, %dma_start3A_242] : memref<320000x128xf32, #tpu.memory_space<hbm>> -> memref<80x128xf32, #tpu.memory_space<hbm>>
    %dma_start3A_244 = tpu.memref_slice %arg10[%dma_start3A_237] : memref<4x!tpu.dma_semaphore, #tpu.memory_space<semaphore_mem>> -> memref<1x!tpu.dma_semaphore, #tpu.memory_space<semaphore_mem>>
    %dma_start3A_245 = tpu.memref_squeeze %dma_start3A_244 : memref<1x!tpu.dma_semaphore, #tpu.memory_space<semaphore_mem>> -> memref<!tpu.dma_semaphore, #tpu.memory_space<semaphore_mem>>
    %dma_start3A_246 = arith.constant 0 : i32
    %dma_start3A_247 = tpu.memref_slice %arg4[%multiple_of3A_235, %dma_start3A_246] : memref<320000x128xf32, #tpu.memory_space<hbm>> -> memref<80x128xf32, #tpu.memory_space<hbm>>
    %dma_start3A_248 = arith.constant 0 : i32
    %dma_start3A_249 = arith.constant 0 : i32
    %dma_start3A_250 = tpu.memref_slice %arg6[%dma_start3A_236, %dma_start3A_248, %dma_start3A_249] : memref<4x80x128xf32, #tpu.memory_space<vmem>> -> memref<1x80x128xf32, #tpu.memory_space<vmem>>
    %dma_start3A_251 = tpu.memref_squeeze %dma_start3A_250 : memref<1x80x128xf32, #tpu.memory_space<vmem>> -> memref<80x128xf32, #tpu.memory_space<vmem>>
    tpu.enqueue_dma source(%dma_start3A_251 : memref<80x128xf32, #tpu.memory_space<vmem>>) target(%dma_start3A_247 : memref<80x128xf32, #tpu.memory_space<hbm>>) target_semaphore(%dma_start3A_245 : memref<!tpu.dma_semaphore, #tpu.memory_space<semaphore_mem>>)
    %multiple_of3A_252 = arith.constant 400 : i32
    %multiple_of3A_253 = tpu.assume_multiple %multiple_of3A_252, 8 : i32
    %dma_start3A_254 = arith.constant 1 : i32
    %dma_start3A_255 = arith.constant 1 : i32
    %dma_start3A_256 = arith.constant 0 : i32
    %dma_start3A_257 = arith.constant 0 : i32
    %dma_start3A_258 = tpu.memref_slice %arg6[%dma_start3A_254, %dma_start3A_256, %dma_start3A_257] : memref<4x80x128xf32, #tpu.memory_space<vmem>> -> memref<1x80x128xf32, #tpu.memory_space<vmem>>
    %dma_start3A_259 = tpu.memref_squeeze %dma_start3A_258 : memref<1x80x128xf32, #tpu.memory_space<vmem>> -> memref<80x128xf32, #tpu.memory_space<vmem>>
    %dma_start3A_260 = tpu.memref_slice %arg5[%multiple_of3A_253] : memref<10000xi32, #tpu.memory_space<vmem>> -> memref<80xi32, #tpu.memory_space<vmem>>
    %dma_start3A_261 = arith.constant 0 : i32
    %dma_start3A_262 = arith.constant 0 : i32
    %dma_start3A_263 = tpu.memref_slice %arg2[%dma_start3A_261, %dma_start3A_262] : memref<10000x128xf32, #tpu.memory_space<hbm>> -> memref<10000x128xf32, #tpu.memory_space<hbm>>
    %dma_start3A_264 = tpu.memref_slice %arg9[%dma_start3A_255] : memref<4x!tpu.dma_semaphore, #tpu.memory_space<semaphore_mem>> -> memref<1x!tpu.dma_semaphore, #tpu.memory_space<semaphore_mem>>
    %dma_start3A_265 = tpu.memref_squeeze %dma_start3A_264 : memref<1x!tpu.dma_semaphore, #tpu.memory_space<semaphore_mem>> -> memref<!tpu.dma_semaphore, #tpu.memory_space<semaphore_mem>>
    tpu.enqueue_indirect_dma source(%dma_start3A_263 : memref<10000x128xf32, #tpu.memory_space<hbm>>) target(%dma_start3A_259 : memref<80x128xf32, #tpu.memory_space<vmem>>) offsets(%dma_start3A_260 : memref<80xi32, #tpu.memory_space<vmem>>) semaphore(%dma_start3A_265 : memref<!tpu.dma_semaphore, #tpu.memory_space<semaphore_mem>>)
    %add3A_266 = arith.constant 0 : i32
    %add3A_267 = arith.addi %mul3A_2, %add3A_266 : i32
    %multiple_of3A_268 = tpu.assume_multiple %add3A_267, 8 : i32
    %dma_wait3A_269 = arith.constant 2 : i32
    %dma_wait3A_270 = arith.constant 2 : i32
    %dma_wait3A_271 = arith.constant 0 : i32
    %dma_wait3A_272 = arith.constant 0 : i32
    %dma_wait3A_273 = tpu.memref_slice %arg6[%dma_wait3A_269, %dma_wait3A_271, %dma_wait3A_272] : memref<4x80x128xf32, #tpu.memory_space<vmem>> -> memref<1x80x128xf32, #tpu.memory_space<vmem>>
    %dma_wait3A_274 = tpu.memref_squeeze %dma_wait3A_273 : memref<1x80x128xf32, #tpu.memory_space<vmem>> -> memref<80x128xf32, #tpu.memory_space<vmem>>
    %dma_wait3A_275 = arith.constant 0 : i32
    %dma_wait3A_276 = tpu.memref_slice %arg4[%multiple_of3A_268, %dma_wait3A_275] : memref<320000x128xf32, #tpu.memory_space<hbm>> -> memref<80x128xf32, #tpu.memory_space<hbm>>
    %dma_wait3A_277 = tpu.memref_slice %arg10[%dma_wait3A_270] : memref<4x!tpu.dma_semaphore, #tpu.memory_space<semaphore_mem>> -> memref<1x!tpu.dma_semaphore, #tpu.memory_space<semaphore_mem>>
    %dma_wait3A_278 = tpu.memref_squeeze %dma_wait3A_277 : memref<1x!tpu.dma_semaphore, #tpu.memory_space<semaphore_mem>> -> memref<!tpu.dma_semaphore, #tpu.memory_space<semaphore_mem>>
    %dma_wait3A_279 = arith.constant 0 : i32
    %dma_wait3A_280 = tpu.memref_slice %arg4[%multiple_of3A_268, %dma_wait3A_279] : memref<320000x128xf32, #tpu.memory_space<hbm>> -> memref<80x128xf32, #tpu.memory_space<hbm>>
    %dma_wait3A_281 = arith.constant 0 : i32
    %dma_wait3A_282 = arith.constant 0 : i32
    %dma_wait3A_283 = tpu.memref_slice %arg6[%dma_wait3A_269, %dma_wait3A_281, %dma_wait3A_282] : memref<4x80x128xf32, #tpu.memory_space<vmem>> -> memref<1x80x128xf32, #tpu.memory_space<vmem>>
    %dma_wait3A_284 = tpu.memref_squeeze %dma_wait3A_283 : memref<1x80x128xf32, #tpu.memory_space<vmem>> -> memref<80x128xf32, #tpu.memory_space<vmem>>
    tpu.wait_dma2 semaphore(%dma_wait3A_278 : memref<!tpu.dma_semaphore, #tpu.memory_space<semaphore_mem>>) src(%dma_wait3A_284 : memref<80x128xf32, #tpu.memory_space<vmem>>) dst(%dma_wait3A_280 : memref<80x128xf32, #tpu.memory_space<hbm>>)
    %multiple_of3A_285 = arith.constant 0 : i32
    %multiple_of3A_286 = tpu.assume_multiple %multiple_of3A_285, 8 : i32
    %dma_wait3A_287 = arith.constant 0 : i32
    %dma_wait3A_288 = arith.constant 0 : i32
    %dma_wait3A_289 = arith.constant 0 : i32
    %dma_wait3A_290 = arith.constant 0 : i32
    %dma_wait3A_291 = tpu.memref_slice %arg6[%dma_wait3A_287, %dma_wait3A_289, %dma_wait3A_290] : memref<4x80x128xf32, #tpu.memory_space<vmem>> -> memref<1x80x128xf32, #tpu.memory_space<vmem>>
    %dma_wait3A_292 = tpu.memref_squeeze %dma_wait3A_291 : memref<1x80x128xf32, #tpu.memory_space<vmem>> -> memref<80x128xf32, #tpu.memory_space<vmem>>
    %dma_wait3A_293 = tpu.memref_slice %arg5[%multiple_of3A_286] : memref<10000xi32, #tpu.memory_space<vmem>> -> memref<80xi32, #tpu.memory_space<vmem>>
    %dma_wait3A_294 = arith.constant 0 : i32
    %dma_wait3A_295 = arith.constant 0 : i32
    %dma_wait3A_296 = tpu.memref_slice %arg2[%dma_wait3A_294, %dma_wait3A_295] : memref<10000x128xf32, #tpu.memory_space<hbm>> -> memref<10000x128xf32, #tpu.memory_space<hbm>>
    %dma_wait3A_297 = tpu.memref_slice %arg9[%dma_wait3A_288] : memref<4x!tpu.dma_semaphore, #tpu.memory_space<semaphore_mem>> -> memref<1x!tpu.dma_semaphore, #tpu.memory_space<semaphore_mem>>
    %dma_wait3A_298 = tpu.memref_squeeze %dma_wait3A_297 : memref<1x!tpu.dma_semaphore, #tpu.memory_space<semaphore_mem>> -> memref<!tpu.dma_semaphore, #tpu.memory_space<semaphore_mem>>
    tpu.wait_indirect_dma semaphore(%dma_wait3A_298 : memref<!tpu.dma_semaphore, #tpu.memory_space<semaphore_mem>>) src(%dma_wait3A_296 : memref<10000x128xf32, #tpu.memory_space<hbm>>) dst(%dma_wait3A_292 : memref<80x128xf32, #tpu.memory_space<vmem>>)
    %add3A_299 = arith.constant 320 : i32
    %add3A_300 = arith.addi %mul3A_2, %add3A_299 : i32
    %multiple_of3A_301 = tpu.assume_multiple %add3A_300, 8 : i32
    %dma_start3A_302 = arith.constant 0 : i32
    %dma_start3A_303 = arith.constant 0 : i32
    %dma_start3A_304 = arith.constant 0 : i32
    %dma_start3A_305 = arith.constant 0 : i32
    %dma_start3A_306 = tpu.memref_slice %arg6[%dma_start3A_302, %dma_start3A_304, %dma_start3A_305] : memref<4x80x128xf32, #tpu.memory_space<vmem>> -> memref<1x80x128xf32, #tpu.memory_space<vmem>>
    %dma_start3A_307 = tpu.memref_squeeze %dma_start3A_306 : memref<1x80x128xf32, #tpu.memory_space<vmem>> -> memref<80x128xf32, #tpu.memory_space<vmem>>
    %dma_start3A_308 = arith.constant 0 : i32
    %dma_start3A_309 = tpu.memref_slice %arg4[%multiple_of3A_301, %dma_start3A_308] : memref<320000x128xf32, #tpu.memory_space<hbm>> -> memref<80x128xf32, #tpu.memory_space<hbm>>
    %dma_start3A_310 = tpu.memref_slice %arg10[%dma_start3A_303] : memref<4x!tpu.dma_semaphore, #tpu.memory_space<semaphore_mem>> -> memref<1x!tpu.dma_semaphore, #tpu.memory_space<semaphore_mem>>
    %dma_start3A_311 = tpu.memref_squeeze %dma_start3A_310 : memref<1x!tpu.dma_semaphore, #tpu.memory_space<semaphore_mem>> -> memref<!tpu.dma_semaphore, #tpu.memory_space<semaphore_mem>>
    %dma_start3A_312 = arith.constant 0 : i32
    %dma_start3A_313 = tpu.memref_slice %arg4[%multiple_of3A_301, %dma_start3A_312] : memref<320000x128xf32, #tpu.memory_space<hbm>> -> memref<80x128xf32, #tpu.memory_space<hbm>>
    %dma_start3A_314 = arith.constant 0 : i32
    %dma_start3A_315 = arith.constant 0 : i32
    %dma_start3A_316 = tpu.memref_slice %arg6[%dma_start3A_302, %dma_start3A_314, %dma_start3A_315] : memref<4x80x128xf32, #tpu.memory_space<vmem>> -> memref<1x80x128xf32, #tpu.memory_space<vmem>>
    %dma_start3A_317 = tpu.memref_squeeze %dma_start3A_316 : memref<1x80x128xf32, #tpu.memory_space<vmem>> -> memref<80x128xf32, #tpu.memory_space<vmem>>
    tpu.enqueue_dma source(%dma_start3A_317 : memref<80x128xf32, #tpu.memory_space<vmem>>) target(%dma_start3A_313 : memref<80x128xf32, #tpu.memory_space<hbm>>) target_semaphore(%dma_start3A_311 : memref<!tpu.dma_semaphore, #tpu.memory_space<semaphore_mem>>)
    %multiple_of3A_318 = arith.constant 480 : i32
    %multiple_of3A_319 = tpu.assume_multiple %multiple_of3A_318, 8 : i32
    %dma_start3A_320 = arith.constant 2 : i32
    %dma_start3A_321 = arith.constant 2 : i32
    %dma_start3A_322 = arith.constant 0 : i32
    %dma_start3A_323 = arith.constant 0 : i32
    %dma_start3A_324 = tpu.memref_slice %arg6[%dma_start3A_320, %dma_start3A_322, %dma_start3A_323] : memref<4x80x128xf32, #tpu.memory_space<vmem>> -> memref<1x80x128xf32, #tpu.memory_space<vmem>>
    %dma_start3A_325 = tpu.memref_squeeze %dma_start3A_324 : memref<1x80x128xf32, #tpu.memory_space<vmem>> -> memref<80x128xf32, #tpu.memory_space<vmem>>
    %dma_start3A_326 = tpu.memref_slice %arg5[%multiple_of3A_319] : memref<10000xi32, #tpu.memory_space<vmem>> -> memref<80xi32, #tpu.memory_space<vmem>>
    %dma_start3A_327 = arith.constant 0 : i32
    %dma_start3A_328 = arith.constant 0 : i32
    %dma_start3A_329 = tpu.memref_slice %arg2[%dma_start3A_327, %dma_start3A_328] : memref<10000x128xf32, #tpu.memory_space<hbm>> -> memref<10000x128xf32, #tpu.memory_space<hbm>>
    %dma_start3A_330 = tpu.memref_slice %arg9[%dma_start3A_321] : memref<4x!tpu.dma_semaphore, #tpu.memory_space<semaphore_mem>> -> memref<1x!tpu.dma_semaphore, #tpu.memory_space<semaphore_mem>>
    %dma_start3A_331 = tpu.memref_squeeze %dma_start3A_330 : memref<1x!tpu.dma_semaphore, #tpu.memory_space<semaphore_mem>> -> memref<!tpu.dma_semaphore, #tpu.memory_space<semaphore_mem>>
    tpu.enqueue_indirect_dma source(%dma_start3A_329 : memref<10000x128xf32, #tpu.memory_space<hbm>>) target(%dma_start3A_325 : memref<80x128xf32, #tpu.memory_space<vmem>>) offsets(%dma_start3A_326 : memref<80xi32, #tpu.memory_space<vmem>>) semaphore(%dma_start3A_331 : memref<!tpu.dma_semaphore, #tpu.memory_space<semaphore_mem>>)
    %add3A_332 = arith.constant 0 : i32
    %add3A_333 = arith.addi %mul3A_2, %add3A_332 : i32
    %multiple_of3A_334 = tpu.assume_multiple %add3A_333, 8 : i32
    %dma_wait3A_335 = arith.constant 3 : i32
    %dma_wait3A_336 = arith.constant 3 : i32
    %dma_wait3A_337 = arith.constant 0 : i32
    %dma_wait3A_338 = arith.constant 0 : i32
    %dma_wait3A_339 = tpu.memref_slice %arg6[%dma_wait3A_335, %dma_wait3A_337, %dma_wait3A_338] : memref<4x80x128xf32, #tpu.memory_space<vmem>> -> memref<1x80x128xf32, #tpu.memory_space<vmem>>
    %dma_wait3A_340 = tpu.memref_squeeze %dma_wait3A_339 : memref<1x80x128xf32, #tpu.memory_space<vmem>> -> memref<80x128xf32, #tpu.memory_space<vmem>>
    %dma_wait3A_341 = arith.constant 0 : i32
    %dma_wait3A_342 = tpu.memref_slice %arg4[%multiple_of3A_334, %dma_wait3A_341] : memref<320000x128xf32, #tpu.memory_space<hbm>> -> memref<80x128xf32, #tpu.memory_space<hbm>>
    %dma_wait3A_343 = tpu.memref_slice %arg10[%dma_wait3A_336] : memref<4x!tpu.dma_semaphore, #tpu.memory_space<semaphore_mem>> -> memref<1x!tpu.dma_semaphore, #tpu.memory_space<semaphore_mem>>
    %dma_wait3A_344 = tpu.memref_squeeze %dma_wait3A_343 : memref<1x!tpu.dma_semaphore, #tpu.memory_space<semaphore_mem>> -> memref<!tpu.dma_semaphore, #tpu.memory_space<semaphore_mem>>
    %dma_wait3A_345 = arith.constant 0 : i32
    %dma_wait3A_346 = tpu.memref_slice %arg4[%multiple_of3A_334, %dma_wait3A_345] : memref<320000x128xf32, #tpu.memory_space<hbm>> -> memref<80x128xf32, #tpu.memory_space<hbm>>
    %dma_wait3A_347 = arith.constant 0 : i32
    %dma_wait3A_348 = arith.constant 0 : i32
    %dma_wait3A_349 = tpu.memref_slice %arg6[%dma_wait3A_335, %dma_wait3A_347, %dma_wait3A_348] : memref<4x80x128xf32, #tpu.memory_space<vmem>> -> memref<1x80x128xf32, #tpu.memory_space<vmem>>
    %dma_wait3A_350 = tpu.memref_squeeze %dma_wait3A_349 : memref<1x80x128xf32, #tpu.memory_space<vmem>> -> memref<80x128xf32, #tpu.memory_space<vmem>>
    tpu.wait_dma2 semaphore(%dma_wait3A_344 : memref<!tpu.dma_semaphore, #tpu.memory_space<semaphore_mem>>) src(%dma_wait3A_350 : memref<80x128xf32, #tpu.memory_space<vmem>>) dst(%dma_wait3A_346 : memref<80x128xf32, #tpu.memory_space<hbm>>)
    %multiple_of3A_351 = arith.constant 0 : i32
    %multiple_of3A_352 = tpu.assume_multiple %multiple_of3A_351, 8 : i32
    %dma_wait3A_353 = arith.constant 1 : i32
    %dma_wait3A_354 = arith.constant 1 : i32
    %dma_wait3A_355 = arith.constant 0 : i32
    %dma_wait3A_356 = arith.constant 0 : i32
    %dma_wait3A_357 = tpu.memref_slice %arg6[%dma_wait3A_353, %dma_wait3A_355, %dma_wait3A_356] : memref<4x80x128xf32, #tpu.memory_space<vmem>> -> memref<1x80x128xf32, #tpu.memory_space<vmem>>
    %dma_wait3A_358 = tpu.memref_squeeze %dma_wait3A_357 : memref<1x80x128xf32, #tpu.memory_space<vmem>> -> memref<80x128xf32, #tpu.memory_space<vmem>>
    %dma_wait3A_359 = tpu.memref_slice %arg5[%multiple_of3A_352] : memref<10000xi32, #tpu.memory_space<vmem>> -> memref<80xi32, #tpu.memory_space<vmem>>
    %dma_wait3A_360 = arith.constant 0 : i32
    %dma_wait3A_361 = arith.constant 0 : i32
    %dma_wait3A_362 = tpu.memref_slice %arg2[%dma_wait3A_360, %dma_wait3A_361] : memref<10000x128xf32, #tpu.memory_space<hbm>> -> memref<10000x128xf32, #tpu.memory_space<hbm>>
    %dma_wait3A_363 = tpu.memref_slice %arg9[%dma_wait3A_354] : memref<4x!tpu.dma_semaphore, #tpu.memory_space<semaphore_mem>> -> memref<1x!tpu.dma_semaphore, #tpu.memory_space<semaphore_mem>>
    %dma_wait3A_364 = tpu.memref_squeeze %dma_wait3A_363 : memref<1x!tpu.dma_semaphore, #tpu.memory_space<semaphore_mem>> -> memref<!tpu.dma_semaphore, #tpu.memory_space<semaphore_mem>>
    tpu.wait_indirect_dma semaphore(%dma_wait3A_364 : memref<!tpu.dma_semaphore, #tpu.memory_space<semaphore_mem>>) src(%dma_wait3A_362 : memref<10000x128xf32, #tpu.memory_space<hbm>>) dst(%dma_wait3A_358 : memref<80x128xf32, #tpu.memory_space<vmem>>)
    %add3A_365 = arith.constant 400 : i32
    %add3A_366 = arith.addi %mul3A_2, %add3A_365 : i32
    %multiple_of3A_367 = tpu.assume_multiple %add3A_366, 8 : i32
    %dma_start3A_368 = arith.constant 1 : i32
    %dma_start3A_369 = arith.constant 1 : i32
    %dma_start3A_370 = arith.constant 0 : i32
    %dma_start3A_371 = arith.constant 0 : i32
    %dma_start3A_372 = tpu.memref_slice %arg6[%dma_start3A_368, %dma_start3A_370, %dma_start3A_371] : memref<4x80x128xf32, #tpu.memory_space<vmem>> -> memref<1x80x128xf32, #tpu.memory_space<vmem>>
    %dma_start3A_373 = tpu.memref_squeeze %dma_start3A_372 : memref<1x80x128xf32, #tpu.memory_space<vmem>> -> memref<80x128xf32, #tpu.memory_space<vmem>>
    %dma_start3A_374 = arith.constant 0 : i32
    %dma_start3A_375 = tpu.memref_slice %arg4[%multiple_of3A_367, %dma_start3A_374] : memref<320000x128xf32, #tpu.memory_space<hbm>> -> memref<80x128xf32, #tpu.memory_space<hbm>>
    %dma_start3A_376 = tpu.memref_slice %arg10[%dma_start3A_369] : memref<4x!tpu.dma_semaphore, #tpu.memory_space<semaphore_mem>> -> memref<1x!tpu.dma_semaphore, #tpu.memory_space<semaphore_mem>>
    %dma_start3A_377 = tpu.memref_squeeze %dma_start3A_376 : memref<1x!tpu.dma_semaphore, #tpu.memory_space<semaphore_mem>> -> memref<!tpu.dma_semaphore, #tpu.memory_space<semaphore_mem>>
    %dma_start3A_378 = arith.constant 0 : i32
    %dma_start3A_379 = tpu.memref_slice %arg4[%multiple_of3A_367, %dma_start3A_378] : memref<320000x128xf32, #tpu.memory_space<hbm>> -> memref<80x128xf32, #tpu.memory_space<hbm>>
    %dma_start3A_380 = arith.constant 0 : i32
    %dma_start3A_381 = arith.constant 0 : i32
    %dma_start3A_382 = tpu.memref_slice %arg6[%dma_start3A_368, %dma_start3A_380, %dma_start3A_381] : memref<4x80x128xf32, #tpu.memory_space<vmem>> -> memref<1x80x128xf32, #tpu.memory_space<vmem>>
    %dma_start3A_383 = tpu.memref_squeeze %dma_start3A_382 : memref<1x80x128xf32, #tpu.memory_space<vmem>> -> memref<80x128xf32, #tpu.memory_space<vmem>>
    tpu.enqueue_dma source(%dma_start3A_383 : memref<80x128xf32, #tpu.memory_space<vmem>>) target(%dma_start3A_379 : memref<80x128xf32, #tpu.memory_space<hbm>>) target_semaphore(%dma_start3A_377 : memref<!tpu.dma_semaphore, #tpu.memory_space<semaphore_mem>>)
    %multiple_of3A_384 = arith.constant 560 : i32
    %multiple_of3A_385 = tpu.assume_multiple %multiple_of3A_384, 8 : i32
    %dma_start3A_386 = arith.constant 3 : i32
    %dma_start3A_387 = arith.constant 3 : i32
    %dma_start3A_388 = arith.constant 0 : i32
    %dma_start3A_389 = arith.constant 0 : i32
    %dma_start3A_390 = tpu.memref_slice %arg6[%dma_start3A_386, %dma_start3A_388, %dma_start3A_389] : memref<4x80x128xf32, #tpu.memory_space<vmem>> -> memref<1x80x128xf32, #tpu.memory_space<vmem>>
    %dma_start3A_391 = tpu.memref_squeeze %dma_start3A_390 : memref<1x80x128xf32, #tpu.memory_space<vmem>> -> memref<80x128xf32, #tpu.memory_space<vmem>>
    %dma_start3A_392 = tpu.memref_slice %arg5[%multiple_of3A_385] : memref<10000xi32, #tpu.memory_space<vmem>> -> memref<80xi32, #tpu.memory_space<vmem>>
    %dma_start3A_393 = arith.constant 0 : i32
    %dma_start3A_394 = arith.constant 0 : i32
    %dma_start3A_395 = tpu.memref_slice %arg2[%dma_start3A_393, %dma_start3A_394] : memref<10000x128xf32, #tpu.memory_space<hbm>> -> memref<10000x128xf32, #tpu.memory_space<hbm>>
    %dma_start3A_396 = tpu.memref_slice %arg9[%dma_start3A_387] : memref<4x!tpu.dma_semaphore, #tpu.memory_space<semaphore_mem>> -> memref<1x!tpu.dma_semaphore, #tpu.memory_space<semaphore_mem>>
    %dma_start3A_397 = tpu.memref_squeeze %dma_start3A_396 : memref<1x!tpu.dma_semaphore, #tpu.memory_space<semaphore_mem>> -> memref<!tpu.dma_semaphore, #tpu.memory_space<semaphore_mem>>
    tpu.enqueue_indirect_dma source(%dma_start3A_395 : memref<10000x128xf32, #tpu.memory_space<hbm>>) target(%dma_start3A_391 : memref<80x128xf32, #tpu.memory_space<vmem>>) offsets(%dma_start3A_392 : memref<80xi32, #tpu.memory_space<vmem>>) semaphore(%dma_start3A_397 : memref<!tpu.dma_semaphore, #tpu.memory_space<semaphore_mem>>)
    %lt3A_398 = arith.constant 15 : i32
    %lt3A_399 = arith.cmpi slt, %arg1, %lt3A_398 : i32
    %convert_element_type3A_400 = arith.extui %lt3A_399 : i1 to i32
    %cond3A_401 = arith.constant 0 : i32
    %cond3A_402 = arith.cmpi ne, %convert_element_type3A_400, %cond3A_401 : i32
    scf.if %cond3A_402 {
      %mul3A_621 = arith.constant 632 : i32
      %mul3A_622 = arith.muli %arg1, %mul3A_621 : i32
      %multiple_of3A_623 = tpu.assume_multiple %mul3A_622, 8 : i32
      %dma_wait3A_624 = arith.constant 0 : i32
      %dma_wait3A_625 = tpu.memref_slice %arg7[%multiple_of3A_623, %dma_wait3A_624] : memref<10000x128xf32, #tpu.memory_space<vmem_shared>> -> memref<632x128xf32, #tpu.memory_space<vmem_shared>>
      %dma_wait3A_626 = arith.constant 0 : i32
      %dma_wait3A_627 = tpu.memref_slice %arg2[%multiple_of3A_623, %dma_wait3A_626] : memref<10000x128xf32, #tpu.memory_space<hbm>> -> memref<632x128xf32, #tpu.memory_space<hbm>>
      tpu.wait_dma2 semaphore(%arg11 : memref<!tpu.dma_semaphore, #tpu.memory_space<semaphore_mem>>) src(%dma_wait3A_627 : memref<632x128xf32, #tpu.memory_space<hbm>>) dst(%dma_wait3A_625 : memref<632x128xf32, #tpu.memory_space<vmem_shared>>)
    } else {
    }
    %eq3A_403 = arith.constant 15 : i32
    %eq3A_404 = arith.cmpi eq, %arg1, %eq3A_403 : i32
    %convert_element_type3A_405 = arith.extui %eq3A_404 : i1 to i32
    %cond3A_406 = arith.constant 0 : i32
    %cond3A_407 = arith.cmpi ne, %convert_element_type3A_405, %cond3A_406 : i32
    scf.if %cond3A_407 {
      %dma_wait3A_621 = arith.constant 9480 : i32
      %dma_wait3A_622 = arith.constant 0 : i32
      %dma_wait3A_623 = tpu.memref_slice %arg7[%dma_wait3A_621, %dma_wait3A_622] : memref<10000x128xf32, #tpu.memory_space<vmem_shared>> -> memref<520x128xf32, #tpu.memory_space<vmem_shared>>
      %dma_wait3A_624 = arith.constant 9480 : i32
      %dma_wait3A_625 = arith.constant 0 : i32
      %dma_wait3A_626 = tpu.memref_slice %arg2[%dma_wait3A_624, %dma_wait3A_625] : memref<10000x128xf32, #tpu.memory_space<hbm>> -> memref<520x128xf32, #tpu.memory_space<hbm>>
      tpu.wait_dma2 semaphore(%arg11 : memref<!tpu.dma_semaphore, #tpu.memory_space<semaphore_mem>>) src(%dma_wait3A_626 : memref<520x128xf32, #tpu.memory_space<hbm>>) dst(%dma_wait3A_623 : memref<520x128xf32, #tpu.memory_space<vmem_shared>>)
    } else {
    }
    %barrier3A = arith.constant 0 : index
    tpu.barrier barrier_id(%barrier3A)
    %scan3A = arith.constant 0 : i32
    %scan3A_408 = arith.constant 2 : i32
    %scan3A_409 = arith.constant 29 : i32
    %scan3A_410 = arith.addi %scan3A_408, %scan3A_409 : i32
    %scan3A_411 = arith.constant 1 : i32
    scf.for %scan3A_621 = %scan3A_408 to %scan3A_410 step %scan3A_411  : i32 {
      %mul3A_622 = arith.constant 4 : i32
      %mul3A_623 = arith.muli %scan3A_621, %mul3A_622 : i32
      %add3A_624 = arith.constant 0 : i32
      %add3A_625 = arith.addi %mul3A_623, %add3A_624 : i32
      %add3A_626 = arith.constant 0 : i32
      %add3A_627 = arith.addi %mul3A_2, %add3A_626 : i32
      %multiple_of3A_628 = tpu.assume_multiple %add3A_627, 8 : i32
      %dma_wait3A_629 = arith.constant 0 : i32
      %dma_wait3A_630 = arith.constant 0 : i32
      %dma_wait3A_631 = arith.constant 0 : i32
      %dma_wait3A_632 = arith.constant 0 : i32
      %dma_wait3A_633 = tpu.memref_slice %arg6[%dma_wait3A_629, %dma_wait3A_631, %dma_wait3A_632] : memref<4x80x128xf32, #tpu.memory_space<vmem>> -> memref<1x80x128xf32, #tpu.memory_space<vmem>>
      %dma_wait3A_634 = tpu.memref_squeeze %dma_wait3A_633 : memref<1x80x128xf32, #tpu.memory_space<vmem>> -> memref<80x128xf32, #tpu.memory_space<vmem>>
      %dma_wait3A_635 = arith.constant 0 : i32
      %dma_wait3A_636 = tpu.memref_slice %arg4[%multiple_of3A_628, %dma_wait3A_635] : memref<320000x128xf32, #tpu.memory_space<hbm>> -> memref<80x128xf32, #tpu.memory_space<hbm>>
      %dma_wait3A_637 = tpu.memref_slice %arg10[%dma_wait3A_630] : memref<4x!tpu.dma_semaphore, #tpu.memory_space<semaphore_mem>> -> memref<1x!tpu.dma_semaphore, #tpu.memory_space<semaphore_mem>>
      %dma_wait3A_638 = tpu.memref_squeeze %dma_wait3A_637 : memref<1x!tpu.dma_semaphore, #tpu.memory_space<semaphore_mem>> -> memref<!tpu.dma_semaphore, #tpu.memory_space<semaphore_mem>>
      %dma_wait3A_639 = arith.constant 0 : i32
      %dma_wait3A_640 = tpu.memref_slice %arg4[%multiple_of3A_628, %dma_wait3A_639] : memref<320000x128xf32, #tpu.memory_space<hbm>> -> memref<80x128xf32, #tpu.memory_space<hbm>>
      %dma_wait3A_641 = arith.constant 0 : i32
      %dma_wait3A_642 = arith.constant 0 : i32
      %dma_wait3A_643 = tpu.memref_slice %arg6[%dma_wait3A_629, %dma_wait3A_641, %dma_wait3A_642] : memref<4x80x128xf32, #tpu.memory_space<vmem>> -> memref<1x80x128xf32, #tpu.memory_space<vmem>>
      %dma_wait3A_644 = tpu.memref_squeeze %dma_wait3A_643 : memref<1x80x128xf32, #tpu.memory_space<vmem>> -> memref<80x128xf32, #tpu.memory_space<vmem>>
      tpu.wait_dma2 semaphore(%dma_wait3A_638 : memref<!tpu.dma_semaphore, #tpu.memory_space<semaphore_mem>>) src(%dma_wait3A_644 : memref<80x128xf32, #tpu.memory_space<vmem>>) dst(%dma_wait3A_640 : memref<80x128xf32, #tpu.memory_space<hbm>>)
      %multiple_of3A_645 = arith.constant 0 : i32
      %multiple_of3A_646 = tpu.assume_multiple %multiple_of3A_645, 8 : i32
      %dma_wait3A_647 = arith.constant 2 : i32
      %dma_wait3A_648 = arith.constant 2 : i32
      %dma_wait3A_649 = arith.constant 0 : i32
      %dma_wait3A_650 = arith.constant 0 : i32
      %dma_wait3A_651 = tpu.memref_slice %arg6[%dma_wait3A_647, %dma_wait3A_649, %dma_wait3A_650] : memref<4x80x128xf32, #tpu.memory_space<vmem>> -> memref<1x80x128xf32, #tpu.memory_space<vmem>>
      %dma_wait3A_652 = tpu.memref_squeeze %dma_wait3A_651 : memref<1x80x128xf32, #tpu.memory_space<vmem>> -> memref<80x128xf32, #tpu.memory_space<vmem>>
      %dma_wait3A_653 = tpu.memref_slice %arg5[%multiple_of3A_646] : memref<10000xi32, #tpu.memory_space<vmem>> -> memref<80xi32, #tpu.memory_space<vmem>>
      %dma_wait3A_654 = arith.constant 0 : i32
      %dma_wait3A_655 = arith.constant 0 : i32
      %dma_wait3A_656 = tpu.memref_slice %arg7[%dma_wait3A_654, %dma_wait3A_655] : memref<10000x128xf32, #tpu.memory_space<vmem_shared>> -> memref<10000x128xf32, #tpu.memory_space<vmem_shared>>
      %dma_wait3A_657 = tpu.memref_slice %arg9[%dma_wait3A_648] : memref<4x!tpu.dma_semaphore, #tpu.memory_space<semaphore_mem>> -> memref<1x!tpu.dma_semaphore, #tpu.memory_space<semaphore_mem>>
      %dma_wait3A_658 = tpu.memref_squeeze %dma_wait3A_657 : memref<1x!tpu.dma_semaphore, #tpu.memory_space<semaphore_mem>> -> memref<!tpu.dma_semaphore, #tpu.memory_space<semaphore_mem>>
      tpu.wait_indirect_dma semaphore(%dma_wait3A_658 : memref<!tpu.dma_semaphore, #tpu.memory_space<semaphore_mem>>) src(%dma_wait3A_656 : memref<10000x128xf32, #tpu.memory_space<vmem_shared>>) dst(%dma_wait3A_652 : memref<80x128xf32, #tpu.memory_space<vmem>>)
      %sub3A = arith.constant 2 : i32
      %sub3A_659 = arith.subi %add3A_625, %sub3A : i32
      %mul3A_660 = arith.constant 80 : i32
      %mul3A_661 = arith.muli %sub3A_659, %mul3A_660 : i32
      %add3A_662 = arith.addi %mul3A_2, %mul3A_661 : i32
      %multiple_of3A_663 = tpu.assume_multiple %add3A_662, 8 : i32
      %dma_start3A_664 = arith.constant 2 : i32
      %dma_start3A_665 = arith.constant 2 : i32
      %dma_start3A_666 = arith.constant 0 : i32
      %dma_start3A_667 = arith.constant 0 : i32
      %dma_start3A_668 = tpu.memref_slice %arg6[%dma_start3A_664, %dma_start3A_666, %dma_start3A_667] : memref<4x80x128xf32, #tpu.memory_space<vmem>> -> memref<1x80x128xf32, #tpu.memory_space<vmem>>
      %dma_start3A_669 = tpu.memref_squeeze %dma_start3A_668 : memref<1x80x128xf32, #tpu.memory_space<vmem>> -> memref<80x128xf32, #tpu.memory_space<vmem>>
      %dma_start3A_670 = arith.constant 0 : i32
      %dma_start3A_671 = tpu.memref_slice %arg4[%multiple_of3A_663, %dma_start3A_670] : memref<320000x128xf32, #tpu.memory_space<hbm>> -> memref<80x128xf32, #tpu.memory_space<hbm>>
      %dma_start3A_672 = tpu.memref_slice %arg10[%dma_start3A_665] : memref<4x!tpu.dma_semaphore, #tpu.memory_space<semaphore_mem>> -> memref<1x!tpu.dma_semaphore, #tpu.memory_space<semaphore_mem>>
      %dma_start3A_673 = tpu.memref_squeeze %dma_start3A_672 : memref<1x!tpu.dma_semaphore, #tpu.memory_space<semaphore_mem>> -> memref<!tpu.dma_semaphore, #tpu.memory_space<semaphore_mem>>
      %dma_start3A_674 = arith.constant 0 : i32
      %dma_start3A_675 = tpu.memref_slice %arg4[%multiple_of3A_663, %dma_start3A_674] : memref<320000x128xf32, #tpu.memory_space<hbm>> -> memref<80x128xf32, #tpu.memory_space<hbm>>
      %dma_start3A_676 = arith.constant 0 : i32
      %dma_start3A_677 = arith.constant 0 : i32
      %dma_start3A_678 = tpu.memref_slice %arg6[%dma_start3A_664, %dma_start3A_676, %dma_start3A_677] : memref<4x80x128xf32, #tpu.memory_space<vmem>> -> memref<1x80x128xf32, #tpu.memory_space<vmem>>
      %dma_start3A_679 = tpu.memref_squeeze %dma_start3A_678 : memref<1x80x128xf32, #tpu.memory_space<vmem>> -> memref<80x128xf32, #tpu.memory_space<vmem>>
      tpu.enqueue_dma source(%dma_start3A_679 : memref<80x128xf32, #tpu.memory_space<vmem>>) target(%dma_start3A_675 : memref<80x128xf32, #tpu.memory_space<hbm>>) target_semaphore(%dma_start3A_673 : memref<!tpu.dma_semaphore, #tpu.memory_space<semaphore_mem>>)
      %mul3A_680 = arith.constant 80 : i32
      %mul3A_681 = arith.muli %add3A_625, %mul3A_680 : i32
      %multiple_of3A_682 = tpu.assume_multiple %mul3A_681, 8 : i32
      %dma_start3A_683 = arith.constant 0 : i32
      %dma_start3A_684 = arith.constant 0 : i32
      %dma_start3A_685 = arith.constant 0 : i32
      %dma_start3A_686 = arith.constant 0 : i32
      %dma_start3A_687 = tpu.memref_slice %arg6[%dma_start3A_683, %dma_start3A_685, %dma_start3A_686] : memref<4x80x128xf32, #tpu.memory_space<vmem>> -> memref<1x80x128xf32, #tpu.memory_space<vmem>>
      %dma_start3A_688 = tpu.memref_squeeze %dma_start3A_687 : memref<1x80x128xf32, #tpu.memory_space<vmem>> -> memref<80x128xf32, #tpu.memory_space<vmem>>
      %dma_start3A_689 = tpu.memref_slice %arg5[%multiple_of3A_682] : memref<10000xi32, #tpu.memory_space<vmem>> -> memref<80xi32, #tpu.memory_space<vmem>>
      %dma_start3A_690 = arith.constant 0 : i32
      %dma_start3A_691 = arith.constant 0 : i32
      %dma_start3A_692 = tpu.memref_slice %arg7[%dma_start3A_690, %dma_start3A_691] : memref<10000x128xf32, #tpu.memory_space<vmem_shared>> -> memref<10000x128xf32, #tpu.memory_space<vmem_shared>>
      %dma_start3A_693 = tpu.memref_slice %arg9[%dma_start3A_684] : memref<4x!tpu.dma_semaphore, #tpu.memory_space<semaphore_mem>> -> memref<1x!tpu.dma_semaphore, #tpu.memory_space<semaphore_mem>>
      %dma_start3A_694 = tpu.memref_squeeze %dma_start3A_693 : memref<1x!tpu.dma_semaphore, #tpu.memory_space<semaphore_mem>> -> memref<!tpu.dma_semaphore, #tpu.memory_space<semaphore_mem>>
      tpu.enqueue_indirect_dma source(%dma_start3A_692 : memref<10000x128xf32, #tpu.memory_space<vmem_shared>>) target(%dma_start3A_688 : memref<80x128xf32, #tpu.memory_space<vmem>>) offsets(%dma_start3A_689 : memref<80xi32, #tpu.memory_space<vmem>>) semaphore(%dma_start3A_694 : memref<!tpu.dma_semaphore, #tpu.memory_space<semaphore_mem>>)
      %mul3A_695 = arith.constant 4 : i32
      %mul3A_696 = arith.muli %scan3A_621, %mul3A_695 : i32
      %add3A_697 = arith.constant 1 : i32
      %add3A_698 = arith.addi %mul3A_696, %add3A_697 : i32
      %add3A_699 = arith.constant 0 : i32
      %add3A_700 = arith.addi %mul3A_2, %add3A_699 : i32
      %multiple_of3A_701 = tpu.assume_multiple %add3A_700, 8 : i32
      %dma_wait3A_702 = arith.constant 1 : i32
      %dma_wait3A_703 = arith.constant 1 : i32
      %dma_wait3A_704 = arith.constant 0 : i32
      %dma_wait3A_705 = arith.constant 0 : i32
      %dma_wait3A_706 = tpu.memref_slice %arg6[%dma_wait3A_702, %dma_wait3A_704, %dma_wait3A_705] : memref<4x80x128xf32, #tpu.memory_space<vmem>> -> memref<1x80x128xf32, #tpu.memory_space<vmem>>
      %dma_wait3A_707 = tpu.memref_squeeze %dma_wait3A_706 : memref<1x80x128xf32, #tpu.memory_space<vmem>> -> memref<80x128xf32, #tpu.memory_space<vmem>>
      %dma_wait3A_708 = arith.constant 0 : i32
      %dma_wait3A_709 = tpu.memref_slice %arg4[%multiple_of3A_701, %dma_wait3A_708] : memref<320000x128xf32, #tpu.memory_space<hbm>> -> memref<80x128xf32, #tpu.memory_space<hbm>>
      %dma_wait3A_710 = tpu.memref_slice %arg10[%dma_wait3A_703] : memref<4x!tpu.dma_semaphore, #tpu.memory_space<semaphore_mem>> -> memref<1x!tpu.dma_semaphore, #tpu.memory_space<semaphore_mem>>
      %dma_wait3A_711 = tpu.memref_squeeze %dma_wait3A_710 : memref<1x!tpu.dma_semaphore, #tpu.memory_space<semaphore_mem>> -> memref<!tpu.dma_semaphore, #tpu.memory_space<semaphore_mem>>
      %dma_wait3A_712 = arith.constant 0 : i32
      %dma_wait3A_713 = tpu.memref_slice %arg4[%multiple_of3A_701, %dma_wait3A_712] : memref<320000x128xf32, #tpu.memory_space<hbm>> -> memref<80x128xf32, #tpu.memory_space<hbm>>
      %dma_wait3A_714 = arith.constant 0 : i32
      %dma_wait3A_715 = arith.constant 0 : i32
      %dma_wait3A_716 = tpu.memref_slice %arg6[%dma_wait3A_702, %dma_wait3A_714, %dma_wait3A_715] : memref<4x80x128xf32, #tpu.memory_space<vmem>> -> memref<1x80x128xf32, #tpu.memory_space<vmem>>
      %dma_wait3A_717 = tpu.memref_squeeze %dma_wait3A_716 : memref<1x80x128xf32, #tpu.memory_space<vmem>> -> memref<80x128xf32, #tpu.memory_space<vmem>>
      tpu.wait_dma2 semaphore(%dma_wait3A_711 : memref<!tpu.dma_semaphore, #tpu.memory_space<semaphore_mem>>) src(%dma_wait3A_717 : memref<80x128xf32, #tpu.memory_space<vmem>>) dst(%dma_wait3A_713 : memref<80x128xf32, #tpu.memory_space<hbm>>)
      %multiple_of3A_718 = arith.constant 0 : i32
      %multiple_of3A_719 = tpu.assume_multiple %multiple_of3A_718, 8 : i32
      %dma_wait3A_720 = arith.constant 3 : i32
      %dma_wait3A_721 = arith.constant 3 : i32
      %dma_wait3A_722 = arith.constant 0 : i32
      %dma_wait3A_723 = arith.constant 0 : i32
      %dma_wait3A_724 = tpu.memref_slice %arg6[%dma_wait3A_720, %dma_wait3A_722, %dma_wait3A_723] : memref<4x80x128xf32, #tpu.memory_space<vmem>> -> memref<1x80x128xf32, #tpu.memory_space<vmem>>
      %dma_wait3A_725 = tpu.memref_squeeze %dma_wait3A_724 : memref<1x80x128xf32, #tpu.memory_space<vmem>> -> memref<80x128xf32, #tpu.memory_space<vmem>>
      %dma_wait3A_726 = tpu.memref_slice %arg5[%multiple_of3A_719] : memref<10000xi32, #tpu.memory_space<vmem>> -> memref<80xi32, #tpu.memory_space<vmem>>
      %dma_wait3A_727 = arith.constant 0 : i32
      %dma_wait3A_728 = arith.constant 0 : i32
      %dma_wait3A_729 = tpu.memref_slice %arg7[%dma_wait3A_727, %dma_wait3A_728] : memref<10000x128xf32, #tpu.memory_space<vmem_shared>> -> memref<10000x128xf32, #tpu.memory_space<vmem_shared>>
      %dma_wait3A_730 = tpu.memref_slice %arg9[%dma_wait3A_721] : memref<4x!tpu.dma_semaphore, #tpu.memory_space<semaphore_mem>> -> memref<1x!tpu.dma_semaphore, #tpu.memory_space<semaphore_mem>>
      %dma_wait3A_731 = tpu.memref_squeeze %dma_wait3A_730 : memref<1x!tpu.dma_semaphore, #tpu.memory_space<semaphore_mem>> -> memref<!tpu.dma_semaphore, #tpu.memory_space<semaphore_mem>>
      tpu.wait_indirect_dma semaphore(%dma_wait3A_731 : memref<!tpu.dma_semaphore, #tpu.memory_space<semaphore_mem>>) src(%dma_wait3A_729 : memref<10000x128xf32, #tpu.memory_space<vmem_shared>>) dst(%dma_wait3A_725 : memref<80x128xf32, #tpu.memory_space<vmem>>)
      %sub3A_732 = arith.constant 2 : i32
      %sub3A_733 = arith.subi %add3A_698, %sub3A_732 : i32
      %mul3A_734 = arith.constant 80 : i32
      %mul3A_735 = arith.muli %sub3A_733, %mul3A_734 : i32
      %add3A_736 = arith.addi %mul3A_2, %mul3A_735 : i32
      %multiple_of3A_737 = tpu.assume_multiple %add3A_736, 8 : i32
      %dma_start3A_738 = arith.constant 3 : i32
      %dma_start3A_739 = arith.constant 3 : i32
      %dma_start3A_740 = arith.constant 0 : i32
      %dma_start3A_741 = arith.constant 0 : i32
      %dma_start3A_742 = tpu.memref_slice %arg6[%dma_start3A_738, %dma_start3A_740, %dma_start3A_741] : memref<4x80x128xf32, #tpu.memory_space<vmem>> -> memref<1x80x128xf32, #tpu.memory_space<vmem>>
      %dma_start3A_743 = tpu.memref_squeeze %dma_start3A_742 : memref<1x80x128xf32, #tpu.memory_space<vmem>> -> memref<80x128xf32, #tpu.memory_space<vmem>>
      %dma_start3A_744 = arith.constant 0 : i32
      %dma_start3A_745 = tpu.memref_slice %arg4[%multiple_of3A_737, %dma_start3A_744] : memref<320000x128xf32, #tpu.memory_space<hbm>> -> memref<80x128xf32, #tpu.memory_space<hbm>>
      %dma_start3A_746 = tpu.memref_slice %arg10[%dma_start3A_739] : memref<4x!tpu.dma_semaphore, #tpu.memory_space<semaphore_mem>> -> memref<1x!tpu.dma_semaphore, #tpu.memory_space<semaphore_mem>>
      %dma_start3A_747 = tpu.memref_squeeze %dma_start3A_746 : memref<1x!tpu.dma_semaphore, #tpu.memory_space<semaphore_mem>> -> memref<!tpu.dma_semaphore, #tpu.memory_space<semaphore_mem>>
      %dma_start3A_748 = arith.constant 0 : i32
      %dma_start3A_749 = tpu.memref_slice %arg4[%multiple_of3A_737, %dma_start3A_748] : memref<320000x128xf32, #tpu.memory_space<hbm>> -> memref<80x128xf32, #tpu.memory_space<hbm>>
      %dma_start3A_750 = arith.constant 0 : i32
      %dma_start3A_751 = arith.constant 0 : i32
      %dma_start3A_752 = tpu.memref_slice %arg6[%dma_start3A_738, %dma_start3A_750, %dma_start3A_751] : memref<4x80x128xf32, #tpu.memory_space<vmem>> -> memref<1x80x128xf32, #tpu.memory_space<vmem>>
      %dma_start3A_753 = tpu.memref_squeeze %dma_start3A_752 : memref<1x80x128xf32, #tpu.memory_space<vmem>> -> memref<80x128xf32, #tpu.memory_space<vmem>>
      tpu.enqueue_dma source(%dma_start3A_753 : memref<80x128xf32, #tpu.memory_space<vmem>>) target(%dma_start3A_749 : memref<80x128xf32, #tpu.memory_space<hbm>>) target_semaphore(%dma_start3A_747 : memref<!tpu.dma_semaphore, #tpu.memory_space<semaphore_mem>>)
      %mul3A_754 = arith.constant 80 : i32
      %mul3A_755 = arith.muli %add3A_698, %mul3A_754 : i32
      %multiple_of3A_756 = tpu.assume_multiple %mul3A_755, 8 : i32
      %dma_start3A_757 = arith.constant 1 : i32
      %dma_start3A_758 = arith.constant 1 : i32
      %dma_start3A_759 = arith.constant 0 : i32
      %dma_start3A_760 = arith.constant 0 : i32
      %dma_start3A_761 = tpu.memref_slice %arg6[%dma_start3A_757, %dma_start3A_759, %dma_start3A_760] : memref<4x80x128xf32, #tpu.memory_space<vmem>> -> memref<1x80x128xf32, #tpu.memory_space<vmem>>
      %dma_start3A_762 = tpu.memref_squeeze %dma_start3A_761 : memref<1x80x128xf32, #tpu.memory_space<vmem>> -> memref<80x128xf32, #tpu.memory_space<vmem>>
      %dma_start3A_763 = tpu.memref_slice %arg5[%multiple_of3A_756] : memref<10000xi32, #tpu.memory_space<vmem>> -> memref<80xi32, #tpu.memory_space<vmem>>
      %dma_start3A_764 = arith.constant 0 : i32
      %dma_start3A_765 = arith.constant 0 : i32
      %dma_start3A_766 = tpu.memref_slice %arg7[%dma_start3A_764, %dma_start3A_765] : memref<10000x128xf32, #tpu.memory_space<vmem_shared>> -> memref<10000x128xf32, #tpu.memory_space<vmem_shared>>
      %dma_start3A_767 = tpu.memref_slice %arg9[%dma_start3A_758] : memref<4x!tpu.dma_semaphore, #tpu.memory_space<semaphore_mem>> -> memref<1x!tpu.dma_semaphore, #tpu.memory_space<semaphore_mem>>
      %dma_start3A_768 = tpu.memref_squeeze %dma_start3A_767 : memref<1x!tpu.dma_semaphore, #tpu.memory_space<semaphore_mem>> -> memref<!tpu.dma_semaphore, #tpu.memory_space<semaphore_mem>>
      tpu.enqueue_indirect_dma source(%dma_start3A_766 : memref<10000x128xf32, #tpu.memory_space<vmem_shared>>) target(%dma_start3A_762 : memref<80x128xf32, #tpu.memory_space<vmem>>) offsets(%dma_start3A_763 : memref<80xi32, #tpu.memory_space<vmem>>) semaphore(%dma_start3A_768 : memref<!tpu.dma_semaphore, #tpu.memory_space<semaphore_mem>>)
      %mul3A_769 = arith.constant 4 : i32
      %mul3A_770 = arith.muli %scan3A_621, %mul3A_769 : i32
      %add3A_771 = arith.constant 2 : i32
      %add3A_772 = arith.addi %mul3A_770, %add3A_771 : i32
      %add3A_773 = arith.constant 0 : i32
      %add3A_774 = arith.addi %mul3A_2, %add3A_773 : i32
      %multiple_of3A_775 = tpu.assume_multiple %add3A_774, 8 : i32
      %dma_wait3A_776 = arith.constant 2 : i32
      %dma_wait3A_777 = arith.constant 2 : i32
      %dma_wait3A_778 = arith.constant 0 : i32
      %dma_wait3A_779 = arith.constant 0 : i32
      %dma_wait3A_780 = tpu.memref_slice %arg6[%dma_wait3A_776, %dma_wait3A_778, %dma_wait3A_779] : memref<4x80x128xf32, #tpu.memory_space<vmem>> -> memref<1x80x128xf32, #tpu.memory_space<vmem>>
      %dma_wait3A_781 = tpu.memref_squeeze %dma_wait3A_780 : memref<1x80x128xf32, #tpu.memory_space<vmem>> -> memref<80x128xf32, #tpu.memory_space<vmem>>
      %dma_wait3A_782 = arith.constant 0 : i32
      %dma_wait3A_783 = tpu.memref_slice %arg4[%multiple_of3A_775, %dma_wait3A_782] : memref<320000x128xf32, #tpu.memory_space<hbm>> -> memref<80x128xf32, #tpu.memory_space<hbm>>
      %dma_wait3A_784 = tpu.memref_slice %arg10[%dma_wait3A_777] : memref<4x!tpu.dma_semaphore, #tpu.memory_space<semaphore_mem>> -> memref<1x!tpu.dma_semaphore, #tpu.memory_space<semaphore_mem>>
      %dma_wait3A_785 = tpu.memref_squeeze %dma_wait3A_784 : memref<1x!tpu.dma_semaphore, #tpu.memory_space<semaphore_mem>> -> memref<!tpu.dma_semaphore, #tpu.memory_space<semaphore_mem>>
      %dma_wait3A_786 = arith.constant 0 : i32
      %dma_wait3A_787 = tpu.memref_slice %arg4[%multiple_of3A_775, %dma_wait3A_786] : memref<320000x128xf32, #tpu.memory_space<hbm>> -> memref<80x128xf32, #tpu.memory_space<hbm>>
      %dma_wait3A_788 = arith.constant 0 : i32
      %dma_wait3A_789 = arith.constant 0 : i32
      %dma_wait3A_790 = tpu.memref_slice %arg6[%dma_wait3A_776, %dma_wait3A_788, %dma_wait3A_789] : memref<4x80x128xf32, #tpu.memory_space<vmem>> -> memref<1x80x128xf32, #tpu.memory_space<vmem>>
      %dma_wait3A_791 = tpu.memref_squeeze %dma_wait3A_790 : memref<1x80x128xf32, #tpu.memory_space<vmem>> -> memref<80x128xf32, #tpu.memory_space<vmem>>
      tpu.wait_dma2 semaphore(%dma_wait3A_785 : memref<!tpu.dma_semaphore, #tpu.memory_space<semaphore_mem>>) src(%dma_wait3A_791 : memref<80x128xf32, #tpu.memory_space<vmem>>) dst(%dma_wait3A_787 : memref<80x128xf32, #tpu.memory_space<hbm>>)
      %multiple_of3A_792 = arith.constant 0 : i32
      %multiple_of3A_793 = tpu.assume_multiple %multiple_of3A_792, 8 : i32
      %dma_wait3A_794 = arith.constant 0 : i32
      %dma_wait3A_795 = arith.constant 0 : i32
      %dma_wait3A_796 = arith.constant 0 : i32
      %dma_wait3A_797 = arith.constant 0 : i32
      %dma_wait3A_798 = tpu.memref_slice %arg6[%dma_wait3A_794, %dma_wait3A_796, %dma_wait3A_797] : memref<4x80x128xf32, #tpu.memory_space<vmem>> -> memref<1x80x128xf32, #tpu.memory_space<vmem>>
      %dma_wait3A_799 = tpu.memref_squeeze %dma_wait3A_798 : memref<1x80x128xf32, #tpu.memory_space<vmem>> -> memref<80x128xf32, #tpu.memory_space<vmem>>
      %dma_wait3A_800 = tpu.memref_slice %arg5[%multiple_of3A_793] : memref<10000xi32, #tpu.memory_space<vmem>> -> memref<80xi32, #tpu.memory_space<vmem>>
      %dma_wait3A_801 = arith.constant 0 : i32
      %dma_wait3A_802 = arith.constant 0 : i32
      %dma_wait3A_803 = tpu.memref_slice %arg7[%dma_wait3A_801, %dma_wait3A_802] : memref<10000x128xf32, #tpu.memory_space<vmem_shared>> -> memref<10000x128xf32, #tpu.memory_space<vmem_shared>>
      %dma_wait3A_804 = tpu.memref_slice %arg9[%dma_wait3A_795] : memref<4x!tpu.dma_semaphore, #tpu.memory_space<semaphore_mem>> -> memref<1x!tpu.dma_semaphore, #tpu.memory_space<semaphore_mem>>
      %dma_wait3A_805 = tpu.memref_squeeze %dma_wait3A_804 : memref<1x!tpu.dma_semaphore, #tpu.memory_space<semaphore_mem>> -> memref<!tpu.dma_semaphore, #tpu.memory_space<semaphore_mem>>
      tpu.wait_indirect_dma semaphore(%dma_wait3A_805 : memref<!tpu.dma_semaphore, #tpu.memory_space<semaphore_mem>>) src(%dma_wait3A_803 : memref<10000x128xf32, #tpu.memory_space<vmem_shared>>) dst(%dma_wait3A_799 : memref<80x128xf32, #tpu.memory_space<vmem>>)
      %sub3A_806 = arith.constant 2 : i32
      %sub3A_807 = arith.subi %add3A_772, %sub3A_806 : i32
      %mul3A_808 = arith.constant 80 : i32
      %mul3A_809 = arith.muli %sub3A_807, %mul3A_808 : i32
      %add3A_810 = arith.addi %mul3A_2, %mul3A_809 : i32
      %multiple_of3A_811 = tpu.assume_multiple %add3A_810, 8 : i32
      %dma_start3A_812 = arith.constant 0 : i32
      %dma_start3A_813 = arith.constant 0 : i32
      %dma_start3A_814 = arith.constant 0 : i32
      %dma_start3A_815 = arith.constant 0 : i32
      %dma_start3A_816 = tpu.memref_slice %arg6[%dma_start3A_812, %dma_start3A_814, %dma_start3A_815] : memref<4x80x128xf32, #tpu.memory_space<vmem>> -> memref<1x80x128xf32, #tpu.memory_space<vmem>>
      %dma_start3A_817 = tpu.memref_squeeze %dma_start3A_816 : memref<1x80x128xf32, #tpu.memory_space<vmem>> -> memref<80x128xf32, #tpu.memory_space<vmem>>
      %dma_start3A_818 = arith.constant 0 : i32
      %dma_start3A_819 = tpu.memref_slice %arg4[%multiple_of3A_811, %dma_start3A_818] : memref<320000x128xf32, #tpu.memory_space<hbm>> -> memref<80x128xf32, #tpu.memory_space<hbm>>
      %dma_start3A_820 = tpu.memref_slice %arg10[%dma_start3A_813] : memref<4x!tpu.dma_semaphore, #tpu.memory_space<semaphore_mem>> -> memref<1x!tpu.dma_semaphore, #tpu.memory_space<semaphore_mem>>
      %dma_start3A_821 = tpu.memref_squeeze %dma_start3A_820 : memref<1x!tpu.dma_semaphore, #tpu.memory_space<semaphore_mem>> -> memref<!tpu.dma_semaphore, #tpu.memory_space<semaphore_mem>>
      %dma_start3A_822 = arith.constant 0 : i32
      %dma_start3A_823 = tpu.memref_slice %arg4[%multiple_of3A_811, %dma_start3A_822] : memref<320000x128xf32, #tpu.memory_space<hbm>> -> memref<80x128xf32, #tpu.memory_space<hbm>>
      %dma_start3A_824 = arith.constant 0 : i32
      %dma_start3A_825 = arith.constant 0 : i32
      %dma_start3A_826 = tpu.memref_slice %arg6[%dma_start3A_812, %dma_start3A_824, %dma_start3A_825] : memref<4x80x128xf32, #tpu.memory_space<vmem>> -> memref<1x80x128xf32, #tpu.memory_space<vmem>>
      %dma_start3A_827 = tpu.memref_squeeze %dma_start3A_826 : memref<1x80x128xf32, #tpu.memory_space<vmem>> -> memref<80x128xf32, #tpu.memory_space<vmem>>
      tpu.enqueue_dma source(%dma_start3A_827 : memref<80x128xf32, #tpu.memory_space<vmem>>) target(%dma_start3A_823 : memref<80x128xf32, #tpu.memory_space<hbm>>) target_semaphore(%dma_start3A_821 : memref<!tpu.dma_semaphore, #tpu.memory_space<semaphore_mem>>)
      %mul3A_828 = arith.constant 80 : i32
      %mul3A_829 = arith.muli %add3A_772, %mul3A_828 : i32
      %multiple_of3A_830 = tpu.assume_multiple %mul3A_829, 8 : i32
      %dma_start3A_831 = arith.constant 2 : i32
      %dma_start3A_832 = arith.constant 2 : i32
      %dma_start3A_833 = arith.constant 0 : i32
      %dma_start3A_834 = arith.constant 0 : i32
      %dma_start3A_835 = tpu.memref_slice %arg6[%dma_start3A_831, %dma_start3A_833, %dma_start3A_834] : memref<4x80x128xf32, #tpu.memory_space<vmem>> -> memref<1x80x128xf32, #tpu.memory_space<vmem>>
      %dma_start3A_836 = tpu.memref_squeeze %dma_start3A_835 : memref<1x80x128xf32, #tpu.memory_space<vmem>> -> memref<80x128xf32, #tpu.memory_space<vmem>>
      %dma_start3A_837 = tpu.memref_slice %arg5[%multiple_of3A_830] : memref<10000xi32, #tpu.memory_space<vmem>> -> memref<80xi32, #tpu.memory_space<vmem>>
      %dma_start3A_838 = arith.constant 0 : i32
      %dma_start3A_839 = arith.constant 0 : i32
      %dma_start3A_840 = tpu.memref_slice %arg7[%dma_start3A_838, %dma_start3A_839] : memref<10000x128xf32, #tpu.memory_space<vmem_shared>> -> memref<10000x128xf32, #tpu.memory_space<vmem_shared>>
      %dma_start3A_841 = tpu.memref_slice %arg9[%dma_start3A_832] : memref<4x!tpu.dma_semaphore, #tpu.memory_space<semaphore_mem>> -> memref<1x!tpu.dma_semaphore, #tpu.memory_space<semaphore_mem>>
      %dma_start3A_842 = tpu.memref_squeeze %dma_start3A_841 : memref<1x!tpu.dma_semaphore, #tpu.memory_space<semaphore_mem>> -> memref<!tpu.dma_semaphore, #tpu.memory_space<semaphore_mem>>
      tpu.enqueue_indirect_dma source(%dma_start3A_840 : memref<10000x128xf32, #tpu.memory_space<vmem_shared>>) target(%dma_start3A_836 : memref<80x128xf32, #tpu.memory_space<vmem>>) offsets(%dma_start3A_837 : memref<80xi32, #tpu.memory_space<vmem>>) semaphore(%dma_start3A_842 : memref<!tpu.dma_semaphore, #tpu.memory_space<semaphore_mem>>)
      %mul3A_843 = arith.constant 4 : i32
      %mul3A_844 = arith.muli %scan3A_621, %mul3A_843 : i32
      %add3A_845 = arith.constant 3 : i32
      %add3A_846 = arith.addi %mul3A_844, %add3A_845 : i32
      %add3A_847 = arith.constant 0 : i32
      %add3A_848 = arith.addi %mul3A_2, %add3A_847 : i32
      %multiple_of3A_849 = tpu.assume_multiple %add3A_848, 8 : i32
      %dma_wait3A_850 = arith.constant 3 : i32
      %dma_wait3A_851 = arith.constant 3 : i32
      %dma_wait3A_852 = arith.constant 0 : i32
      %dma_wait3A_853 = arith.constant 0 : i32
      %dma_wait3A_854 = tpu.memref_slice %arg6[%dma_wait3A_850, %dma_wait3A_852, %dma_wait3A_853] : memref<4x80x128xf32, #tpu.memory_space<vmem>> -> memref<1x80x128xf32, #tpu.memory_space<vmem>>
      %dma_wait3A_855 = tpu.memref_squeeze %dma_wait3A_854 : memref<1x80x128xf32, #tpu.memory_space<vmem>> -> memref<80x128xf32, #tpu.memory_space<vmem>>
      %dma_wait3A_856 = arith.constant 0 : i32
      %dma_wait3A_857 = tpu.memref_slice %arg4[%multiple_of3A_849, %dma_wait3A_856] : memref<320000x128xf32, #tpu.memory_space<hbm>> -> memref<80x128xf32, #tpu.memory_space<hbm>>
      %dma_wait3A_858 = tpu.memref_slice %arg10[%dma_wait3A_851] : memref<4x!tpu.dma_semaphore, #tpu.memory_space<semaphore_mem>> -> memref<1x!tpu.dma_semaphore, #tpu.memory_space<semaphore_mem>>
      %dma_wait3A_859 = tpu.memref_squeeze %dma_wait3A_858 : memref<1x!tpu.dma_semaphore, #tpu.memory_space<semaphore_mem>> -> memref<!tpu.dma_semaphore, #tpu.memory_space<semaphore_mem>>
      %dma_wait3A_860 = arith.constant 0 : i32
      %dma_wait3A_861 = tpu.memref_slice %arg4[%multiple_of3A_849, %dma_wait3A_860] : memref<320000x128xf32, #tpu.memory_space<hbm>> -> memref<80x128xf32, #tpu.memory_space<hbm>>
      %dma_wait3A_862 = arith.constant 0 : i32
      %dma_wait3A_863 = arith.constant 0 : i32
      %dma_wait3A_864 = tpu.memref_slice %arg6[%dma_wait3A_850, %dma_wait3A_862, %dma_wait3A_863] : memref<4x80x128xf32, #tpu.memory_space<vmem>> -> memref<1x80x128xf32, #tpu.memory_space<vmem>>
      %dma_wait3A_865 = tpu.memref_squeeze %dma_wait3A_864 : memref<1x80x128xf32, #tpu.memory_space<vmem>> -> memref<80x128xf32, #tpu.memory_space<vmem>>
      tpu.wait_dma2 semaphore(%dma_wait3A_859 : memref<!tpu.dma_semaphore, #tpu.memory_space<semaphore_mem>>) src(%dma_wait3A_865 : memref<80x128xf32, #tpu.memory_space<vmem>>) dst(%dma_wait3A_861 : memref<80x128xf32, #tpu.memory_space<hbm>>)
      %multiple_of3A_866 = arith.constant 0 : i32
      %multiple_of3A_867 = tpu.assume_multiple %multiple_of3A_866, 8 : i32
      %dma_wait3A_868 = arith.constant 1 : i32
      %dma_wait3A_869 = arith.constant 1 : i32
      %dma_wait3A_870 = arith.constant 0 : i32
      %dma_wait3A_871 = arith.constant 0 : i32
      %dma_wait3A_872 = tpu.memref_slice %arg6[%dma_wait3A_868, %dma_wait3A_870, %dma_wait3A_871] : memref<4x80x128xf32, #tpu.memory_space<vmem>> -> memref<1x80x128xf32, #tpu.memory_space<vmem>>
      %dma_wait3A_873 = tpu.memref_squeeze %dma_wait3A_872 : memref<1x80x128xf32, #tpu.memory_space<vmem>> -> memref<80x128xf32, #tpu.memory_space<vmem>>
      %dma_wait3A_874 = tpu.memref_slice %arg5[%multiple_of3A_867] : memref<10000xi32, #tpu.memory_space<vmem>> -> memref<80xi32, #tpu.memory_space<vmem>>
      %dma_wait3A_875 = arith.constant 0 : i32
      %dma_wait3A_876 = arith.constant 0 : i32
      %dma_wait3A_877 = tpu.memref_slice %arg7[%dma_wait3A_875, %dma_wait3A_876] : memref<10000x128xf32, #tpu.memory_space<vmem_shared>> -> memref<10000x128xf32, #tpu.memory_space<vmem_shared>>
      %dma_wait3A_878 = tpu.memref_slice %arg9[%dma_wait3A_869] : memref<4x!tpu.dma_semaphore, #tpu.memory_space<semaphore_mem>> -> memref<1x!tpu.dma_semaphore, #tpu.memory_space<semaphore_mem>>
      %dma_wait3A_879 = tpu.memref_squeeze %dma_wait3A_878 : memref<1x!tpu.dma_semaphore, #tpu.memory_space<semaphore_mem>> -> memref<!tpu.dma_semaphore, #tpu.memory_space<semaphore_mem>>
      tpu.wait_indirect_dma semaphore(%dma_wait3A_879 : memref<!tpu.dma_semaphore, #tpu.memory_space<semaphore_mem>>) src(%dma_wait3A_877 : memref<10000x128xf32, #tpu.memory_space<vmem_shared>>) dst(%dma_wait3A_873 : memref<80x128xf32, #tpu.memory_space<vmem>>)
      %sub3A_880 = arith.constant 2 : i32
      %sub3A_881 = arith.subi %add3A_846, %sub3A_880 : i32
      %mul3A_882 = arith.constant 80 : i32
      %mul3A_883 = arith.muli %sub3A_881, %mul3A_882 : i32
      %add3A_884 = arith.addi %mul3A_2, %mul3A_883 : i32
      %multiple_of3A_885 = tpu.assume_multiple %add3A_884, 8 : i32
      %dma_start3A_886 = arith.constant 1 : i32
      %dma_start3A_887 = arith.constant 1 : i32
      %dma_start3A_888 = arith.constant 0 : i32
      %dma_start3A_889 = arith.constant 0 : i32
      %dma_start3A_890 = tpu.memref_slice %arg6[%dma_start3A_886, %dma_start3A_888, %dma_start3A_889] : memref<4x80x128xf32, #tpu.memory_space<vmem>> -> memref<1x80x128xf32, #tpu.memory_space<vmem>>
      %dma_start3A_891 = tpu.memref_squeeze %dma_start3A_890 : memref<1x80x128xf32, #tpu.memory_space<vmem>> -> memref<80x128xf32, #tpu.memory_space<vmem>>
      %dma_start3A_892 = arith.constant 0 : i32
      %dma_start3A_893 = tpu.memref_slice %arg4[%multiple_of3A_885, %dma_start3A_892] : memref<320000x128xf32, #tpu.memory_space<hbm>> -> memref<80x128xf32, #tpu.memory_space<hbm>>
      %dma_start3A_894 = tpu.memref_slice %arg10[%dma_start3A_887] : memref<4x!tpu.dma_semaphore, #tpu.memory_space<semaphore_mem>> -> memref<1x!tpu.dma_semaphore, #tpu.memory_space<semaphore_mem>>
      %dma_start3A_895 = tpu.memref_squeeze %dma_start3A_894 : memref<1x!tpu.dma_semaphore, #tpu.memory_space<semaphore_mem>> -> memref<!tpu.dma_semaphore, #tpu.memory_space<semaphore_mem>>
      %dma_start3A_896 = arith.constant 0 : i32
      %dma_start3A_897 = tpu.memref_slice %arg4[%multiple_of3A_885, %dma_start3A_896] : memref<320000x128xf32, #tpu.memory_space<hbm>> -> memref<80x128xf32, #tpu.memory_space<hbm>>
      %dma_start3A_898 = arith.constant 0 : i32
      %dma_start3A_899 = arith.constant 0 : i32
      %dma_start3A_900 = tpu.memref_slice %arg6[%dma_start3A_886, %dma_start3A_898, %dma_start3A_899] : memref<4x80x128xf32, #tpu.memory_space<vmem>> -> memref<1x80x128xf32, #tpu.memory_space<vmem>>
      %dma_start3A_901 = tpu.memref_squeeze %dma_start3A_900 : memref<1x80x128xf32, #tpu.memory_space<vmem>> -> memref<80x128xf32, #tpu.memory_space<vmem>>
      tpu.enqueue_dma source(%dma_start3A_901 : memref<80x128xf32, #tpu.memory_space<vmem>>) target(%dma_start3A_897 : memref<80x128xf32, #tpu.memory_space<hbm>>) target_semaphore(%dma_start3A_895 : memref<!tpu.dma_semaphore, #tpu.memory_space<semaphore_mem>>)
      %mul3A_902 = arith.constant 80 : i32
      %mul3A_903 = arith.muli %add3A_846, %mul3A_902 : i32
      %multiple_of3A_904 = tpu.assume_multiple %mul3A_903, 8 : i32
      %dma_start3A_905 = arith.constant 3 : i32
      %dma_start3A_906 = arith.constant 3 : i32
      %dma_start3A_907 = arith.constant 0 : i32
      %dma_start3A_908 = arith.constant 0 : i32
      %dma_start3A_909 = tpu.memref_slice %arg6[%dma_start3A_905, %dma_start3A_907, %dma_start3A_908] : memref<4x80x128xf32, #tpu.memory_space<vmem>> -> memref<1x80x128xf32, #tpu.memory_space<vmem>>
      %dma_start3A_910 = tpu.memref_squeeze %dma_start3A_909 : memref<1x80x128xf32, #tpu.memory_space<vmem>> -> memref<80x128xf32, #tpu.memory_space<vmem>>
      %dma_start3A_911 = tpu.memref_slice %arg5[%multiple_of3A_904] : memref<10000xi32, #tpu.memory_space<vmem>> -> memref<80xi32, #tpu.memory_space<vmem>>
      %dma_start3A_912 = arith.constant 0 : i32
      %dma_start3A_913 = arith.constant 0 : i32
      %dma_start3A_914 = tpu.memref_slice %arg7[%dma_start3A_912, %dma_start3A_913] : memref<10000x128xf32, #tpu.memory_space<vmem_shared>> -> memref<10000x128xf32, #tpu.memory_space<vmem_shared>>
      %dma_start3A_915 = tpu.memref_slice %arg9[%dma_start3A_906] : memref<4x!tpu.dma_semaphore, #tpu.memory_space<semaphore_mem>> -> memref<1x!tpu.dma_semaphore, #tpu.memory_space<semaphore_mem>>
      %dma_start3A_916 = tpu.memref_squeeze %dma_start3A_915 : memref<1x!tpu.dma_semaphore, #tpu.memory_space<semaphore_mem>> -> memref<!tpu.dma_semaphore, #tpu.memory_space<semaphore_mem>>
      tpu.enqueue_indirect_dma source(%dma_start3A_914 : memref<10000x128xf32, #tpu.memory_space<vmem_shared>>) target(%dma_start3A_910 : memref<80x128xf32, #tpu.memory_space<vmem>>) offsets(%dma_start3A_911 : memref<80xi32, #tpu.memory_space<vmem>>) semaphore(%dma_start3A_916 : memref<!tpu.dma_semaphore, #tpu.memory_space<semaphore_mem>>)
    }
    %scan3A_412 = arith.constant 29 : i32
    %multiple_of3A_413 = arith.constant 0 : i32
    %multiple_of3A_414 = tpu.assume_multiple %multiple_of3A_413, 8 : i32
    %dma_wait3A_415 = arith.constant 2 : i32
    %dma_wait3A_416 = arith.constant 2 : i32
    %dma_wait3A_417 = arith.constant 0 : i32
    %dma_wait3A_418 = arith.constant 0 : i32
    %dma_wait3A_419 = tpu.memref_slice %arg6[%dma_wait3A_415, %dma_wait3A_417, %dma_wait3A_418] : memref<4x80x128xf32, #tpu.memory_space<vmem>> -> memref<1x80x128xf32, #tpu.memory_space<vmem>>
    %dma_wait3A_420 = tpu.memref_squeeze %dma_wait3A_419 : memref<1x80x128xf32, #tpu.memory_space<vmem>> -> memref<80x128xf32, #tpu.memory_space<vmem>>
    %dma_wait3A_421 = tpu.memref_slice %arg5[%multiple_of3A_414] : memref<10000xi32, #tpu.memory_space<vmem>> -> memref<80xi32, #tpu.memory_space<vmem>>
    %dma_wait3A_422 = arith.constant 0 : i32
    %dma_wait3A_423 = arith.constant 0 : i32
    %dma_wait3A_424 = tpu.memref_slice %arg7[%dma_wait3A_422, %dma_wait3A_423] : memref<10000x128xf32, #tpu.memory_space<vmem_shared>> -> memref<10000x128xf32, #tpu.memory_space<vmem_shared>>
    %dma_wait3A_425 = tpu.memref_slice %arg9[%dma_wait3A_416] : memref<4x!tpu.dma_semaphore, #tpu.memory_space<semaphore_mem>> -> memref<1x!tpu.dma_semaphore, #tpu.memory_space<semaphore_mem>>
    %dma_wait3A_426 = tpu.memref_squeeze %dma_wait3A_425 : memref<1x!tpu.dma_semaphore, #tpu.memory_space<semaphore_mem>> -> memref<!tpu.dma_semaphore, #tpu.memory_space<semaphore_mem>>
    tpu.wait_indirect_dma semaphore(%dma_wait3A_426 : memref<!tpu.dma_semaphore, #tpu.memory_space<semaphore_mem>>) src(%dma_wait3A_424 : memref<10000x128xf32, #tpu.memory_space<vmem_shared>>) dst(%dma_wait3A_420 : memref<80x128xf32, #tpu.memory_space<vmem>>)
    %add3A_427 = arith.constant 9760 : i32
    %add3A_428 = arith.addi %mul3A_2, %add3A_427 : i32
    %multiple_of3A_429 = tpu.assume_multiple %add3A_428, 8 : i32
    %dma_start3A_430 = arith.constant 2 : i32
    %dma_start3A_431 = arith.constant 2 : i32
    %dma_start3A_432 = arith.constant 0 : i32
    %dma_start3A_433 = arith.constant 0 : i32
    %dma_start3A_434 = tpu.memref_slice %arg6[%dma_start3A_430, %dma_start3A_432, %dma_start3A_433] : memref<4x80x128xf32, #tpu.memory_space<vmem>> -> memref<1x80x128xf32, #tpu.memory_space<vmem>>
    %dma_start3A_435 = tpu.memref_squeeze %dma_start3A_434 : memref<1x80x128xf32, #tpu.memory_space<vmem>> -> memref<80x128xf32, #tpu.memory_space<vmem>>
    %dma_start3A_436 = arith.constant 0 : i32
    %dma_start3A_437 = tpu.memref_slice %arg4[%multiple_of3A_429, %dma_start3A_436] : memref<320000x128xf32, #tpu.memory_space<hbm>> -> memref<80x128xf32, #tpu.memory_space<hbm>>
    %dma_start3A_438 = tpu.memref_slice %arg10[%dma_start3A_431] : memref<4x!tpu.dma_semaphore, #tpu.memory_space<semaphore_mem>> -> memref<1x!tpu.dma_semaphore, #tpu.memory_space<semaphore_mem>>
    %dma_start3A_439 = tpu.memref_squeeze %dma_start3A_438 : memref<1x!tpu.dma_semaphore, #tpu.memory_space<semaphore_mem>> -> memref<!tpu.dma_semaphore, #tpu.memory_space<semaphore_mem>>
    %dma_start3A_440 = arith.constant 0 : i32
    %dma_start3A_441 = tpu.memref_slice %arg4[%multiple_of3A_429, %dma_start3A_440] : memref<320000x128xf32, #tpu.memory_space<hbm>> -> memref<80x128xf32, #tpu.memory_space<hbm>>
    %dma_start3A_442 = arith.constant 0 : i32
    %dma_start3A_443 = arith.constant 0 : i32
    %dma_start3A_444 = tpu.memref_slice %arg6[%dma_start3A_430, %dma_start3A_442, %dma_start3A_443] : memref<4x80x128xf32, #tpu.memory_space<vmem>> -> memref<1x80x128xf32, #tpu.memory_space<vmem>>
    %dma_start3A_445 = tpu.memref_squeeze %dma_start3A_444 : memref<1x80x128xf32, #tpu.memory_space<vmem>> -> memref<80x128xf32, #tpu.memory_space<vmem>>
    tpu.enqueue_dma source(%dma_start3A_445 : memref<80x128xf32, #tpu.memory_space<vmem>>) target(%dma_start3A_441 : memref<80x128xf32, #tpu.memory_space<hbm>>) target_semaphore(%dma_start3A_439 : memref<!tpu.dma_semaphore, #tpu.memory_space<semaphore_mem>>)
    %add3A_446 = arith.constant 0 : i32
    %add3A_447 = arith.addi %mul3A_2, %add3A_446 : i32
    %multiple_of3A_448 = tpu.assume_multiple %add3A_447, 8 : i32
    %dma_wait3A_449 = arith.constant 0 : i32
    %dma_wait3A_450 = arith.constant 0 : i32
    %dma_wait3A_451 = arith.constant 0 : i32
    %dma_wait3A_452 = arith.constant 0 : i32
    %dma_wait3A_453 = tpu.memref_slice %arg6[%dma_wait3A_449, %dma_wait3A_451, %dma_wait3A_452] : memref<4x80x128xf32, #tpu.memory_space<vmem>> -> memref<1x80x128xf32, #tpu.memory_space<vmem>>
    %dma_wait3A_454 = tpu.memref_squeeze %dma_wait3A_453 : memref<1x80x128xf32, #tpu.memory_space<vmem>> -> memref<80x128xf32, #tpu.memory_space<vmem>>
    %dma_wait3A_455 = arith.constant 0 : i32
    %dma_wait3A_456 = tpu.memref_slice %arg4[%multiple_of3A_448, %dma_wait3A_455] : memref<320000x128xf32, #tpu.memory_space<hbm>> -> memref<80x128xf32, #tpu.memory_space<hbm>>
    %dma_wait3A_457 = tpu.memref_slice %arg10[%dma_wait3A_450] : memref<4x!tpu.dma_semaphore, #tpu.memory_space<semaphore_mem>> -> memref<1x!tpu.dma_semaphore, #tpu.memory_space<semaphore_mem>>
    %dma_wait3A_458 = tpu.memref_squeeze %dma_wait3A_457 : memref<1x!tpu.dma_semaphore, #tpu.memory_space<semaphore_mem>> -> memref<!tpu.dma_semaphore, #tpu.memory_space<semaphore_mem>>
    %dma_wait3A_459 = arith.constant 0 : i32
    %dma_wait3A_460 = tpu.memref_slice %arg4[%multiple_of3A_448, %dma_wait3A_459] : memref<320000x128xf32, #tpu.memory_space<hbm>> -> memref<80x128xf32, #tpu.memory_space<hbm>>
    %dma_wait3A_461 = arith.constant 0 : i32
    %dma_wait3A_462 = arith.constant 0 : i32
    %dma_wait3A_463 = tpu.memref_slice %arg6[%dma_wait3A_449, %dma_wait3A_461, %dma_wait3A_462] : memref<4x80x128xf32, #tpu.memory_space<vmem>> -> memref<1x80x128xf32, #tpu.memory_space<vmem>>
    %dma_wait3A_464 = tpu.memref_squeeze %dma_wait3A_463 : memref<1x80x128xf32, #tpu.memory_space<vmem>> -> memref<80x128xf32, #tpu.memory_space<vmem>>
    tpu.wait_dma2 semaphore(%dma_wait3A_458 : memref<!tpu.dma_semaphore, #tpu.memory_space<semaphore_mem>>) src(%dma_wait3A_464 : memref<80x128xf32, #tpu.memory_space<vmem>>) dst(%dma_wait3A_460 : memref<80x128xf32, #tpu.memory_space<hbm>>)
    %multiple_of3A_465 = arith.constant 9920 : i32
    %multiple_of3A_466 = tpu.assume_multiple %multiple_of3A_465, 8 : i32
    %dma_start3A_467 = arith.constant 0 : i32
    %dma_start3A_468 = arith.constant 0 : i32
    %dma_start3A_469 = arith.constant 0 : i32
    %dma_start3A_470 = arith.constant 0 : i32
    %dma_start3A_471 = tpu.memref_slice %arg6[%dma_start3A_467, %dma_start3A_469, %dma_start3A_470] : memref<4x80x128xf32, #tpu.memory_space<vmem>> -> memref<1x80x128xf32, #tpu.memory_space<vmem>>
    %dma_start3A_472 = tpu.memref_squeeze %dma_start3A_471 : memref<1x80x128xf32, #tpu.memory_space<vmem>> -> memref<80x128xf32, #tpu.memory_space<vmem>>
    %dma_start3A_473 = tpu.memref_slice %arg5[%multiple_of3A_466] : memref<10000xi32, #tpu.memory_space<vmem>> -> memref<80xi32, #tpu.memory_space<vmem>>
    %dma_start3A_474 = arith.constant 0 : i32
    %dma_start3A_475 = arith.constant 0 : i32
    %dma_start3A_476 = tpu.memref_slice %arg7[%dma_start3A_474, %dma_start3A_475] : memref<10000x128xf32, #tpu.memory_space<vmem_shared>> -> memref<10000x128xf32, #tpu.memory_space<vmem_shared>>
    %dma_start3A_477 = tpu.memref_slice %arg9[%dma_start3A_468] : memref<4x!tpu.dma_semaphore, #tpu.memory_space<semaphore_mem>> -> memref<1x!tpu.dma_semaphore, #tpu.memory_space<semaphore_mem>>
    %dma_start3A_478 = tpu.memref_squeeze %dma_start3A_477 : memref<1x!tpu.dma_semaphore, #tpu.memory_space<semaphore_mem>> -> memref<!tpu.dma_semaphore, #tpu.memory_space<semaphore_mem>>
    tpu.enqueue_indirect_dma source(%dma_start3A_476 : memref<10000x128xf32, #tpu.memory_space<vmem_shared>>) target(%dma_start3A_472 : memref<80x128xf32, #tpu.memory_space<vmem>>) offsets(%dma_start3A_473 : memref<80xi32, #tpu.memory_space<vmem>>) semaphore(%dma_start3A_478 : memref<!tpu.dma_semaphore, #tpu.memory_space<semaphore_mem>>)
    %multiple_of3A_479 = arith.constant 0 : i32
    %multiple_of3A_480 = tpu.assume_multiple %multiple_of3A_479, 8 : i32
    %dma_wait3A_481 = arith.constant 3 : i32
    %dma_wait3A_482 = arith.constant 3 : i32
    %dma_wait3A_483 = arith.constant 0 : i32
    %dma_wait3A_484 = arith.constant 0 : i32
    %dma_wait3A_485 = tpu.memref_slice %arg6[%dma_wait3A_481, %dma_wait3A_483, %dma_wait3A_484] : memref<4x80x128xf32, #tpu.memory_space<vmem>> -> memref<1x80x128xf32, #tpu.memory_space<vmem>>
    %dma_wait3A_486 = tpu.memref_squeeze %dma_wait3A_485 : memref<1x80x128xf32, #tpu.memory_space<vmem>> -> memref<80x128xf32, #tpu.memory_space<vmem>>
    %dma_wait3A_487 = tpu.memref_slice %arg5[%multiple_of3A_480] : memref<10000xi32, #tpu.memory_space<vmem>> -> memref<80xi32, #tpu.memory_space<vmem>>
    %dma_wait3A_488 = arith.constant 0 : i32
    %dma_wait3A_489 = arith.constant 0 : i32
    %dma_wait3A_490 = tpu.memref_slice %arg7[%dma_wait3A_488, %dma_wait3A_489] : memref<10000x128xf32, #tpu.memory_space<vmem_shared>> -> memref<10000x128xf32, #tpu.memory_space<vmem_shared>>
    %dma_wait3A_491 = tpu.memref_slice %arg9[%dma_wait3A_482] : memref<4x!tpu.dma_semaphore, #tpu.memory_space<semaphore_mem>> -> memref<1x!tpu.dma_semaphore, #tpu.memory_space<semaphore_mem>>
    %dma_wait3A_492 = tpu.memref_squeeze %dma_wait3A_491 : memref<1x!tpu.dma_semaphore, #tpu.memory_space<semaphore_mem>> -> memref<!tpu.dma_semaphore, #tpu.memory_space<semaphore_mem>>
    tpu.wait_indirect_dma semaphore(%dma_wait3A_492 : memref<!tpu.dma_semaphore, #tpu.memory_space<semaphore_mem>>) src(%dma_wait3A_490 : memref<10000x128xf32, #tpu.memory_space<vmem_shared>>) dst(%dma_wait3A_486 : memref<80x128xf32, #tpu.memory_space<vmem>>)
    %add3A_493 = arith.constant 9840 : i32
    %add3A_494 = arith.addi %mul3A_2, %add3A_493 : i32
    %multiple_of3A_495 = tpu.assume_multiple %add3A_494, 8 : i32
    %dma_start3A_496 = arith.constant 3 : i32
    %dma_start3A_497 = arith.constant 3 : i32
    %dma_start3A_498 = arith.constant 0 : i32
    %dma_start3A_499 = arith.constant 0 : i32
    %dma_start3A_500 = tpu.memref_slice %arg6[%dma_start3A_496, %dma_start3A_498, %dma_start3A_499] : memref<4x80x128xf32, #tpu.memory_space<vmem>> -> memref<1x80x128xf32, #tpu.memory_space<vmem>>
    %dma_start3A_501 = tpu.memref_squeeze %dma_start3A_500 : memref<1x80x128xf32, #tpu.memory_space<vmem>> -> memref<80x128xf32, #tpu.memory_space<vmem>>
    %dma_start3A_502 = arith.constant 0 : i32
    %dma_start3A_503 = tpu.memref_slice %arg4[%multiple_of3A_495, %dma_start3A_502] : memref<320000x128xf32, #tpu.memory_space<hbm>> -> memref<80x128xf32, #tpu.memory_space<hbm>>
    %dma_start3A_504 = tpu.memref_slice %arg10[%dma_start3A_497] : memref<4x!tpu.dma_semaphore, #tpu.memory_space<semaphore_mem>> -> memref<1x!tpu.dma_semaphore, #tpu.memory_space<semaphore_mem>>
    %dma_start3A_505 = tpu.memref_squeeze %dma_start3A_504 : memref<1x!tpu.dma_semaphore, #tpu.memory_space<semaphore_mem>> -> memref<!tpu.dma_semaphore, #tpu.memory_space<semaphore_mem>>
    %dma_start3A_506 = arith.constant 0 : i32
    %dma_start3A_507 = tpu.memref_slice %arg4[%multiple_of3A_495, %dma_start3A_506] : memref<320000x128xf32, #tpu.memory_space<hbm>> -> memref<80x128xf32, #tpu.memory_space<hbm>>
    %dma_start3A_508 = arith.constant 0 : i32
    %dma_start3A_509 = arith.constant 0 : i32
    %dma_start3A_510 = tpu.memref_slice %arg6[%dma_start3A_496, %dma_start3A_508, %dma_start3A_509] : memref<4x80x128xf32, #tpu.memory_space<vmem>> -> memref<1x80x128xf32, #tpu.memory_space<vmem>>
    %dma_start3A_511 = tpu.memref_squeeze %dma_start3A_510 : memref<1x80x128xf32, #tpu.memory_space<vmem>> -> memref<80x128xf32, #tpu.memory_space<vmem>>
    tpu.enqueue_dma source(%dma_start3A_511 : memref<80x128xf32, #tpu.memory_space<vmem>>) target(%dma_start3A_507 : memref<80x128xf32, #tpu.memory_space<hbm>>) target_semaphore(%dma_start3A_505 : memref<!tpu.dma_semaphore, #tpu.memory_space<semaphore_mem>>)
    %multiple_of3A_512 = arith.constant 0 : i32
    %multiple_of3A_513 = tpu.assume_multiple %multiple_of3A_512, 8 : i32
    %dma_wait3A_514 = arith.constant 0 : i32
    %dma_wait3A_515 = arith.constant 0 : i32
    %dma_wait3A_516 = arith.constant 0 : i32
    %dma_wait3A_517 = arith.constant 0 : i32
    %dma_wait3A_518 = tpu.memref_slice %arg6[%dma_wait3A_514, %dma_wait3A_516, %dma_wait3A_517] : memref<4x80x128xf32, #tpu.memory_space<vmem>> -> memref<1x80x128xf32, #tpu.memory_space<vmem>>
    %dma_wait3A_519 = tpu.memref_squeeze %dma_wait3A_518 : memref<1x80x128xf32, #tpu.memory_space<vmem>> -> memref<80x128xf32, #tpu.memory_space<vmem>>
    %dma_wait3A_520 = tpu.memref_slice %arg5[%multiple_of3A_513] : memref<10000xi32, #tpu.memory_space<vmem>> -> memref<80xi32, #tpu.memory_space<vmem>>
    %dma_wait3A_521 = arith.constant 0 : i32
    %dma_wait3A_522 = arith.constant 0 : i32
    %dma_wait3A_523 = tpu.memref_slice %arg7[%dma_wait3A_521, %dma_wait3A_522] : memref<10000x128xf32, #tpu.memory_space<vmem_shared>> -> memref<10000x128xf32, #tpu.memory_space<vmem_shared>>
    %dma_wait3A_524 = tpu.memref_slice %arg9[%dma_wait3A_515] : memref<4x!tpu.dma_semaphore, #tpu.memory_space<semaphore_mem>> -> memref<1x!tpu.dma_semaphore, #tpu.memory_space<semaphore_mem>>
    %dma_wait3A_525 = tpu.memref_squeeze %dma_wait3A_524 : memref<1x!tpu.dma_semaphore, #tpu.memory_space<semaphore_mem>> -> memref<!tpu.dma_semaphore, #tpu.memory_space<semaphore_mem>>
    tpu.wait_indirect_dma semaphore(%dma_wait3A_525 : memref<!tpu.dma_semaphore, #tpu.memory_space<semaphore_mem>>) src(%dma_wait3A_523 : memref<10000x128xf32, #tpu.memory_space<vmem_shared>>) dst(%dma_wait3A_519 : memref<80x128xf32, #tpu.memory_space<vmem>>)
    %add3A_526 = arith.constant 9920 : i32
    %add3A_527 = arith.addi %mul3A_2, %add3A_526 : i32
    %multiple_of3A_528 = tpu.assume_multiple %add3A_527, 8 : i32
    %dma_start3A_529 = arith.constant 0 : i32
    %dma_start3A_530 = arith.constant 0 : i32
    %dma_start3A_531 = arith.constant 0 : i32
    %dma_start3A_532 = arith.constant 0 : i32
    %dma_start3A_533 = tpu.memref_slice %arg6[%dma_start3A_529, %dma_start3A_531, %dma_start3A_532] : memref<4x80x128xf32, #tpu.memory_space<vmem>> -> memref<1x80x128xf32, #tpu.memory_space<vmem>>
    %dma_start3A_534 = tpu.memref_squeeze %dma_start3A_533 : memref<1x80x128xf32, #tpu.memory_space<vmem>> -> memref<80x128xf32, #tpu.memory_space<vmem>>
    %dma_start3A_535 = arith.constant 0 : i32
    %dma_start3A_536 = tpu.memref_slice %arg4[%multiple_of3A_528, %dma_start3A_535] : memref<320000x128xf32, #tpu.memory_space<hbm>> -> memref<80x128xf32, #tpu.memory_space<hbm>>
    %dma_start3A_537 = tpu.memref_slice %arg10[%dma_start3A_530] : memref<4x!tpu.dma_semaphore, #tpu.memory_space<semaphore_mem>> -> memref<1x!tpu.dma_semaphore, #tpu.memory_space<semaphore_mem>>
    %dma_start3A_538 = tpu.memref_squeeze %dma_start3A_537 : memref<1x!tpu.dma_semaphore, #tpu.memory_space<semaphore_mem>> -> memref<!tpu.dma_semaphore, #tpu.memory_space<semaphore_mem>>
    %dma_start3A_539 = arith.constant 0 : i32
    %dma_start3A_540 = tpu.memref_slice %arg4[%multiple_of3A_528, %dma_start3A_539] : memref<320000x128xf32, #tpu.memory_space<hbm>> -> memref<80x128xf32, #tpu.memory_space<hbm>>
    %dma_start3A_541 = arith.constant 0 : i32
    %dma_start3A_542 = arith.constant 0 : i32
    %dma_start3A_543 = tpu.memref_slice %arg6[%dma_start3A_529, %dma_start3A_541, %dma_start3A_542] : memref<4x80x128xf32, #tpu.memory_space<vmem>> -> memref<1x80x128xf32, #tpu.memory_space<vmem>>
    %dma_start3A_544 = tpu.memref_squeeze %dma_start3A_543 : memref<1x80x128xf32, #tpu.memory_space<vmem>> -> memref<80x128xf32, #tpu.memory_space<vmem>>
    tpu.enqueue_dma source(%dma_start3A_544 : memref<80x128xf32, #tpu.memory_space<vmem>>) target(%dma_start3A_540 : memref<80x128xf32, #tpu.memory_space<hbm>>) target_semaphore(%dma_start3A_538 : memref<!tpu.dma_semaphore, #tpu.memory_space<semaphore_mem>>)
    %add3A_545 = arith.constant 0 : i32
    %add3A_546 = arith.addi %mul3A_2, %add3A_545 : i32
    %multiple_of3A_547 = tpu.assume_multiple %add3A_546, 8 : i32
    %dma_wait3A_548 = arith.constant 1 : i32
    %dma_wait3A_549 = arith.constant 1 : i32
    %dma_wait3A_550 = arith.constant 0 : i32
    %dma_wait3A_551 = arith.constant 0 : i32
    %dma_wait3A_552 = tpu.memref_slice %arg6[%dma_wait3A_548, %dma_wait3A_550, %dma_wait3A_551] : memref<4x80x128xf32, #tpu.memory_space<vmem>> -> memref<1x80x128xf32, #tpu.memory_space<vmem>>
    %dma_wait3A_553 = tpu.memref_squeeze %dma_wait3A_552 : memref<1x80x128xf32, #tpu.memory_space<vmem>> -> memref<80x128xf32, #tpu.memory_space<vmem>>
    %dma_wait3A_554 = arith.constant 0 : i32
    %dma_wait3A_555 = tpu.memref_slice %arg4[%multiple_of3A_547, %dma_wait3A_554] : memref<320000x128xf32, #tpu.memory_space<hbm>> -> memref<80x128xf32, #tpu.memory_space<hbm>>
    %dma_wait3A_556 = tpu.memref_slice %arg10[%dma_wait3A_549] : memref<4x!tpu.dma_semaphore, #tpu.memory_space<semaphore_mem>> -> memref<1x!tpu.dma_semaphore, #tpu.memory_space<semaphore_mem>>
    %dma_wait3A_557 = tpu.memref_squeeze %dma_wait3A_556 : memref<1x!tpu.dma_semaphore, #tpu.memory_space<semaphore_mem>> -> memref<!tpu.dma_semaphore, #tpu.memory_space<semaphore_mem>>
    %dma_wait3A_558 = arith.constant 0 : i32
    %dma_wait3A_559 = tpu.memref_slice %arg4[%multiple_of3A_547, %dma_wait3A_558] : memref<320000x128xf32, #tpu.memory_space<hbm>> -> memref<80x128xf32, #tpu.memory_space<hbm>>
    %dma_wait3A_560 = arith.constant 0 : i32
    %dma_wait3A_561 = arith.constant 0 : i32
    %dma_wait3A_562 = tpu.memref_slice %arg6[%dma_wait3A_548, %dma_wait3A_560, %dma_wait3A_561] : memref<4x80x128xf32, #tpu.memory_space<vmem>> -> memref<1x80x128xf32, #tpu.memory_space<vmem>>
    %dma_wait3A_563 = tpu.memref_squeeze %dma_wait3A_562 : memref<1x80x128xf32, #tpu.memory_space<vmem>> -> memref<80x128xf32, #tpu.memory_space<vmem>>
    tpu.wait_dma2 semaphore(%dma_wait3A_557 : memref<!tpu.dma_semaphore, #tpu.memory_space<semaphore_mem>>) src(%dma_wait3A_563 : memref<80x128xf32, #tpu.memory_space<vmem>>) dst(%dma_wait3A_559 : memref<80x128xf32, #tpu.memory_space<hbm>>)
    %add3A_564 = arith.constant 0 : i32
    %add3A_565 = arith.addi %mul3A_2, %add3A_564 : i32
    %multiple_of3A_566 = tpu.assume_multiple %add3A_565, 8 : i32
    %dma_wait3A_567 = arith.constant 2 : i32
    %dma_wait3A_568 = arith.constant 2 : i32
    %dma_wait3A_569 = arith.constant 0 : i32
    %dma_wait3A_570 = arith.constant 0 : i32
    %dma_wait3A_571 = tpu.memref_slice %arg6[%dma_wait3A_567, %dma_wait3A_569, %dma_wait3A_570] : memref<4x80x128xf32, #tpu.memory_space<vmem>> -> memref<1x80x128xf32, #tpu.memory_space<vmem>>
    %dma_wait3A_572 = tpu.memref_squeeze %dma_wait3A_571 : memref<1x80x128xf32, #tpu.memory_space<vmem>> -> memref<80x128xf32, #tpu.memory_space<vmem>>
    %dma_wait3A_573 = arith.constant 0 : i32
    %dma_wait3A_574 = tpu.memref_slice %arg4[%multiple_of3A_566, %dma_wait3A_573] : memref<320000x128xf32, #tpu.memory_space<hbm>> -> memref<80x128xf32, #tpu.memory_space<hbm>>
    %dma_wait3A_575 = tpu.memref_slice %arg10[%dma_wait3A_568] : memref<4x!tpu.dma_semaphore, #tpu.memory_space<semaphore_mem>> -> memref<1x!tpu.dma_semaphore, #tpu.memory_space<semaphore_mem>>
    %dma_wait3A_576 = tpu.memref_squeeze %dma_wait3A_575 : memref<1x!tpu.dma_semaphore, #tpu.memory_space<semaphore_mem>> -> memref<!tpu.dma_semaphore, #tpu.memory_space<semaphore_mem>>
    %dma_wait3A_577 = arith.constant 0 : i32
    %dma_wait3A_578 = tpu.memref_slice %arg4[%multiple_of3A_566, %dma_wait3A_577] : memref<320000x128xf32, #tpu.memory_space<hbm>> -> memref<80x128xf32, #tpu.memory_space<hbm>>
    %dma_wait3A_579 = arith.constant 0 : i32
    %dma_wait3A_580 = arith.constant 0 : i32
    %dma_wait3A_581 = tpu.memref_slice %arg6[%dma_wait3A_567, %dma_wait3A_579, %dma_wait3A_580] : memref<4x80x128xf32, #tpu.memory_space<vmem>> -> memref<1x80x128xf32, #tpu.memory_space<vmem>>
    %dma_wait3A_582 = tpu.memref_squeeze %dma_wait3A_581 : memref<1x80x128xf32, #tpu.memory_space<vmem>> -> memref<80x128xf32, #tpu.memory_space<vmem>>
    tpu.wait_dma2 semaphore(%dma_wait3A_576 : memref<!tpu.dma_semaphore, #tpu.memory_space<semaphore_mem>>) src(%dma_wait3A_582 : memref<80x128xf32, #tpu.memory_space<vmem>>) dst(%dma_wait3A_578 : memref<80x128xf32, #tpu.memory_space<hbm>>)
    %add3A_583 = arith.constant 0 : i32
    %add3A_584 = arith.addi %mul3A_2, %add3A_583 : i32
    %multiple_of3A_585 = tpu.assume_multiple %add3A_584, 8 : i32
    %dma_wait3A_586 = arith.constant 3 : i32
    %dma_wait3A_587 = arith.constant 3 : i32
    %dma_wait3A_588 = arith.constant 0 : i32
    %dma_wait3A_589 = arith.constant 0 : i32
    %dma_wait3A_590 = tpu.memref_slice %arg6[%dma_wait3A_586, %dma_wait3A_588, %dma_wait3A_589] : memref<4x80x128xf32, #tpu.memory_space<vmem>> -> memref<1x80x128xf32, #tpu.memory_space<vmem>>
    %dma_wait3A_591 = tpu.memref_squeeze %dma_wait3A_590 : memref<1x80x128xf32, #tpu.memory_space<vmem>> -> memref<80x128xf32, #tpu.memory_space<vmem>>
    %dma_wait3A_592 = arith.constant 0 : i32
    %dma_wait3A_593 = tpu.memref_slice %arg4[%multiple_of3A_585, %dma_wait3A_592] : memref<320000x128xf32, #tpu.memory_space<hbm>> -> memref<80x128xf32, #tpu.memory_space<hbm>>
    %dma_wait3A_594 = tpu.memref_slice %arg10[%dma_wait3A_587] : memref<4x!tpu.dma_semaphore, #tpu.memory_space<semaphore_mem>> -> memref<1x!tpu.dma_semaphore, #tpu.memory_space<semaphore_mem>>
    %dma_wait3A_595 = tpu.memref_squeeze %dma_wait3A_594 : memref<1x!tpu.dma_semaphore, #tpu.memory_space<semaphore_mem>> -> memref<!tpu.dma_semaphore, #tpu.memory_space<semaphore_mem>>
    %dma_wait3A_596 = arith.constant 0 : i32
    %dma_wait3A_597 = tpu.memref_slice %arg4[%multiple_of3A_585, %dma_wait3A_596] : memref<320000x128xf32, #tpu.memory_space<hbm>> -> memref<80x128xf32, #tpu.memory_space<hbm>>
    %dma_wait3A_598 = arith.constant 0 : i32
    %dma_wait3A_599 = arith.constant 0 : i32
    %dma_wait3A_600 = tpu.memref_slice %arg6[%dma_wait3A_586, %dma_wait3A_598, %dma_wait3A_599] : memref<4x80x128xf32, #tpu.memory_space<vmem>> -> memref<1x80x128xf32, #tpu.memory_space<vmem>>
    %dma_wait3A_601 = tpu.memref_squeeze %dma_wait3A_600 : memref<1x80x128xf32, #tpu.memory_space<vmem>> -> memref<80x128xf32, #tpu.memory_space<vmem>>
    tpu.wait_dma2 semaphore(%dma_wait3A_595 : memref<!tpu.dma_semaphore, #tpu.memory_space<semaphore_mem>>) src(%dma_wait3A_601 : memref<80x128xf32, #tpu.memory_space<vmem>>) dst(%dma_wait3A_597 : memref<80x128xf32, #tpu.memory_space<hbm>>)
    %add3A_602 = arith.constant 0 : i32
    %add3A_603 = arith.addi %mul3A_2, %add3A_602 : i32
    %multiple_of3A_604 = tpu.assume_multiple %add3A_603, 8 : i32
    %dma_wait3A_605 = arith.constant 0 : i32
    %dma_wait3A_606 = arith.constant 0 : i32
    %dma_wait3A_607 = arith.constant 0 : i32
    %dma_wait3A_608 = arith.constant 0 : i32
    %dma_wait3A_609 = tpu.memref_slice %arg6[%dma_wait3A_605, %dma_wait3A_607, %dma_wait3A_608] : memref<4x80x128xf32, #tpu.memory_space<vmem>> -> memref<1x80x128xf32, #tpu.memory_space<vmem>>
    %dma_wait3A_610 = tpu.memref_squeeze %dma_wait3A_609 : memref<1x80x128xf32, #tpu.memory_space<vmem>> -> memref<80x128xf32, #tpu.memory_space<vmem>>
    %dma_wait3A_611 = arith.constant 0 : i32
    %dma_wait3A_612 = tpu.memref_slice %arg4[%multiple_of3A_604, %dma_wait3A_611] : memref<320000x128xf32, #tpu.memory_space<hbm>> -> memref<80x128xf32, #tpu.memory_space<hbm>>
    %dma_wait3A_613 = tpu.memref_slice %arg10[%dma_wait3A_606] : memref<4x!tpu.dma_semaphore, #tpu.memory_space<semaphore_mem>> -> memref<1x!tpu.dma_semaphore, #tpu.memory_space<semaphore_mem>>
    %dma_wait3A_614 = tpu.memref_squeeze %dma_wait3A_613 : memref<1x!tpu.dma_semaphore, #tpu.memory_space<semaphore_mem>> -> memref<!tpu.dma_semaphore, #tpu.memory_space<semaphore_mem>>
    %dma_wait3A_615 = arith.constant 0 : i32
    %dma_wait3A_616 = tpu.memref_slice %arg4[%multiple_of3A_604, %dma_wait3A_615] : memref<320000x128xf32, #tpu.memory_space<hbm>> -> memref<80x128xf32, #tpu.memory_space<hbm>>
    %dma_wait3A_617 = arith.constant 0 : i32
    %dma_wait3A_618 = arith.constant 0 : i32
    %dma_wait3A_619 = tpu.memref_slice %arg6[%dma_wait3A_605, %dma_wait3A_617, %dma_wait3A_618] : memref<4x80x128xf32, #tpu.memory_space<vmem>> -> memref<1x80x128xf32, #tpu.memory_space<vmem>>
    %dma_wait3A_620 = tpu.memref_squeeze %dma_wait3A_619 : memref<1x80x128xf32, #tpu.memory_space<vmem>> -> memref<80x128xf32, #tpu.memory_space<vmem>>
    tpu.wait_dma2 semaphore(%dma_wait3A_614 : memref<!tpu.dma_semaphore, #tpu.memory_space<semaphore_mem>>) src(%dma_wait3A_620 : memref<80x128xf32, #tpu.memory_space<vmem>>) dst(%dma_wait3A_616 : memref<80x128xf32, #tpu.memory_space<hbm>>)
    return
  }
}

</mosaic_0001>

<sc_bundles>
// kernel: kernel.3.cloned.1.call-start
scs
__scs_entry_jumppad:
0x0: {  	(pc) =	sbr.rel $0x88, $3  }
0x1: {  	(tag) =	ssettag $0x0;
	lr =	simm.s32 $0x1  }
0x2: {  	[smem:$0x3F9F] =	sst lr;
	_ =	strace $0xD0000000  }
0x3: {  	_ = 	snop  }
0x4: {  	_ = 	snop  }
0x5: {  	_ = 	snop  }
0x6: {  	_ = 	snop  }
0x7: {  	_ = 	snop  }
__scs_overlays_trampoline_lowered:
0x8: {  	[smem:$0x3FAE] =	sst s0  }
0x9: {  	[smem:$0x3FAF] =	sst s1  }
0xa: {  	[smem:$0x3FB0] =	sst s2  }
0xb: {  	[smem:$0x3FB1] =	sst s3  }
0xc: {  	[smem:$0x3FB2] =	sst s4  }
0xd: {  	[smem:$0x3FB3] =	sst s5  }
0xe: {  	[smem:$0x3FB4] =	sst s6  }
0xf: {  	[smem:$0x3FB5] =	sst s7  }
0x10: {  	[smem:$0x3FB6] =	sst s8  }
0x11: {  	[smem:$0x3FB7] =	sst s9;
	s0 =	simm.s32 @!p0 $0x0  }
0x12: {  	s1 =	sld [smem:$0x3F9D];
	s0 =	simm.s32 @p0 $0x1  }
0x13: {  	[smem:$0x3FB8] =	sst s0;
	s0 =	simm.s32 @!p1 $0x0  }
0x14: {  	s2 =	sld [smem:$0x3F9C];
	s0 =	simm.s32 @p1 $0x1  }
0x15: {  	[smem:$0x3FB9] =	sst s0;
	s0 =	simm.s32 @!p2 $0x0  }
0x16: {  	s3 =	sld [smem:$0x3FDB];
	s0 =	simm.s32 @p2 $0x1  }
0x17: {  	s4 =	simm.s32 $0x1BF5;
	[smem:$0x3FBB] =	sst s0  }
0x18: {  	s0 =	sld [smem:$0x3F9E];
	_ =	swait.ge [sflag:s4], $0x0  }
0x19: {  	s7 =	sld [smem:$0x3F9F]  }
0x1a: {  	s8 =	sadd.s32 $0xFFFFE003, lr  }
0x1b: {  	s9 =	sadd.s32 $0xFFFFFEF7, lr;
	s5 =	simm.s32 $0xFFFFFFFF;
	p2 =	slt.u32 s8, $0xFFFFF086  }
0x1c: {  	p1 =	slt.u32 s9, $0xF7A;
	s5 =	simm.s32 @!p2 $0x0  }
0x1d: {  	s5 =	simm.s32 @p1 $0x1;
	p0 =	seq.s32 s7, s2  }
0x1e: {  	s7 =	smul.u32 @!p0 $0xF7A, s2;
	p2 =	seq.s32 @!p0 s5, $0x0  }
0x1f: {  	s9 =	smul.u32 $0xF7A, s1;
	s8 =	simm.s32 @!p0 $0x1BF5;
	p2 =	por !p2, p0  }
0x20: {  	[sflag:s8] =	ssyncset.s32 @!p0 $0xFFFFF086;
	s6 =	sadd.s32 @!p0 s3, s7;
	s7 =	simm.s32 @!p0 $0x108  }
0x21: {  	s3 =	sadd.s32 s3, s9;
	s6 =	sadd.s32 @!p0 $0x88, s6;
	s7 =	simm.s32 @p2 $0x1082  }
0x22: {  	[simem:s7], [sflag:s8] =	dma.local @!p0 [hbm:s6], $0xF7A  }
0x23: {  	s9 =	sor.u32 $0xD0000000, s2;
	s6 =	simm.s32 $0x108;
	_ =	swait.ge @!p0 [sflag:s8], $0x0  }
0x24: {  	s3 =	sadd.s32 $0x88, s3;
	s6 =	simm.s32 @!p1 $0x1082;
	[sflag:s4] =	ssyncset.s32 $0xFFFFF086  }
0x25: {  	[simem:s6], [sflag:s4] =	dma.local [hbm:s3], $0xF7A  }
0x26: {  	[smem:$0x3F9F] =	sst s1;
	(tag) =	ssettag s2;
	_ =	strace s9  }
0x27: {  	s1 =	sld [smem:$0x3FAF]  }
0x28: {  	s2 =	sld [smem:$0x3FB0]  }
0x29: {  	s4 =	sld [smem:$0x3FB2]  }
0x2a: {  	p0 =	seq.s32 s5, $0x0;
	s5 =	sld [smem:$0x3FB3]  }
0x2b: {  	s6 =	sld [smem:$0x3FB4]  }
0x2c: {  	s7 =	sld [smem:$0x3FB5]  }
0x2d: {  	s3 =	simm.s32 $0x108;
	s8 =	sld [smem:$0x3FB6]  }
0x2e: {  	s3 =	simm.s32 @!p0 $0x1082;
	s9 =	sld [smem:$0x3FB7]  }
0x2f: {  	lr =	sadd.s32 s0, s3;
	s0 =	sld [smem:$0x3FAE]  }
0x30: {  	s3 =	sld [smem:$0x3FB1]  }
0x31: {  	[smem:$0x3FBA] =	sst s10  }
0x32: {  	s10 =	sld [smem:$0x3FB8];
	_ =	sdelay $0x3  }
0x33: {  	p0 =	seq.s32 s10, $0x1;
	s10 =	sld [smem:$0x3FBA];
	_ =	sdelay $0x3  }
0x34: {  	[smem:$0x3FBA] =	sst s10  }
0x35: {  	s10 =	sld [smem:$0x3FB9];
	_ =	sdelay $0x3  }
0x36: {  	p1 =	seq.s32 s10, $0x1;
	s10 =	sld [smem:$0x3FBA];
	_ =	sdelay $0x3  }
0x37: {  	[smem:$0x3FBA] =	sst s10  }
0x38: {  	s10 =	sld [smem:$0x3FBB]  }
0x39: {  	_ = 	snop;
	(pc) =	sbr.ind lr, $3  }
0x3a: {  	_ = 	snop  }
0x3b: {  	_ = 	snop  }
0x3c: {  	p2 =	seq.s32 s10, $0x1;
	s10 =	sld [smem:$0x3FBA]  }
0x3d: {  	_ =	shalt  }
0x3e: {  	_ =	shalt  }
0x3f: {  	_ =	shalt  }
0x40: {  	_ =	shalt  }
0x41: {  	_ =	shalt  }
0x42: {  	_ =	shalt  }
0x43: {  	_ =	shalt  }
0x44: {  	_ =	shalt  }
0x45: {  	_ =	shalt  }
0x46: {  	_ =	shalt  }
0x47: {  	_ =	shalt  }
0x48: {  	_ =	shalt  }
0x49: {  	_ =	shalt  }
0x4a: {  	_ =	shalt  }
0x4b: {  	_ =	shalt  }
0x4c: {  	_ =	shalt  }
0x4d: {  	_ =	shalt  }
0x4e: {  	_ =	shalt  }
0x4f: {  	_ =	shalt  }
0x50: {  	_ =	shalt  }
0x51: {  	_ =	shalt  }
0x52: {  	_ =	shalt  }
0x53: {  	_ =	shalt  }
0x54: {  	_ =	shalt  }
0x55: {  	_ =	shalt  }
0x56: {  	_ =	shalt  }
0x57: {  	_ =	shalt  }
0x58: {  	_ =	shalt  }
0x59: {  	_ =	shalt  }
0x5a: {  	_ =	shalt  }
0x5b: {  	_ =	shalt  }
0x5c: {  	_ =	shalt  }
0x5d: {  	_ =	shalt  }
0x5e: {  	_ =	shalt  }
0x5f: {  	_ =	shalt  }
0x60: {  	_ =	shalt  }
0x61: {  	_ =	shalt  }
0x62: {  	_ =	shalt  }
0x63: {  	_ =	shalt  }
0x64: {  	_ =	shalt  }
0x65: {  	_ =	shalt  }
0x66: {  	_ =	shalt  }
0x67: {  	_ =	shalt  }
0x68: {  	_ =	shalt  }
0x69: {  	_ =	shalt  }
0x6a: {  	_ =	shalt  }
0x6b: {  	_ =	shalt  }
0x6c: {  	_ =	shalt  }
0x6d: {  	_ =	shalt  }
0x6e: {  	_ =	shalt  }
0x6f: {  	_ =	shalt  }
0x70: {  	_ =	shalt  }
0x71: {  	_ =	shalt  }
0x72: {  	_ =	shalt  }
0x73: {  	_ =	shalt  }
0x74: {  	_ =	shalt  }
0x75: {  	_ =	shalt  }
0x76: {  	_ =	shalt  }
0x77: {  	_ =	shalt  }
0x78: {  	_ =	shalt  }
0x79: {  	_ =	shalt  }
0x7a: {  	_ =	shalt  }
0x7b: {  	_ =	shalt  }
0x7c: {  	_ =	shalt  }
0x7d: {  	_ =	shalt  }
0x7e: {  	_ =	shalt  }
0x7f: {  	_ =	shalt  }
0x80: {  	_ =	shalt  }
0x81: {  	_ =	shalt  }
0x82: {  	_ =	shalt  }
0x83: {  	_ =	shalt  }
0x84: {  	_ =	shalt  }
0x85: {  	_ =	shalt  }
0x86: {  	_ =	shalt  }
0x87: {  	_ =	shalt  }
.Lfunc_end0:
.L_simem_size_0:
called_computation_lowered:
.L_overlay_start_0:
0x88: {  	s2 =	sld [smem:$0x3FD9]  }
0x89: {  	s3 =	sld [smem:$0x3FFE];
	_ =	sdelay $0x1  }
0x8a: {  	s1 =	srdreg.scid  }
0x8b: {  	s0 =	sand.u32 $0x1, s1  }
0x8c: {  	s17 =	sshll.u32 s0, $0xA;
	s2 =	sadd.s32 s3, s2  }
0x8d: {  	s2 =	sadd.s32 s2, s17  }
0x8e: {  	[smem:$0x3FC6] =	sst s2  }
0x8f: {  	_ = 	snop  }
0x90: {  	s2 =	sld [smem:$0x3FC9]  }
0x91: {  	s18 =	sld [smem:$0x3FD0];
	(tm) =	ssettm $0x1  }
0x92: {  	s4 =	sld [smem:$0x3FFB];
	_ =	sdelay $0x3  }
0x93: {  	_ =	strace s4  }
0x94: {  	s4 =	sld [smem:$0x3FFC];
	_ =	sdelay $0x3  }
0x95: {  	_ =	strace s4  }
0x96: {  	s4 =	sld [smem:$0x3FFD];
	_ =	sdelay $0x3  }
0x97: {  	_ =	strace s4  }
0x98: {  	_ =	strace $0x8FFFFFFF  }
0x99: {  	s19 =	sld [smem:$0x3FDB];
	_ =	sdelay $0x1  }
0x9a: {  	s5 =	simm.s32 $_scs_section_size  }
0x9b: {  	s6 =	simm.s32 $_size__tile_overlayer_lowered;
	s7 =	simm.s32 $_tile_overlayer_lowered  }
0x9c: {  	s22 =	simm.s32 $0x1BFF;
	s21 =	sshll.u32 s7, $0x1;
	s4 =	sadd.s32 s5, s19  }
0x9d: {  	s8 =	simm.s32 $0x0;
	s20 =	sshll.u32 s6, $0x1;
	s6 =	sadd.s32 s21, s4  }
0x9e: {  	[timem:s8], [sflag:s22] =	dma.local [hbm:s6], s20  }
0x9f: {  	_ =	swait.ge [sflag:s22], s20  }
0xa0: {  	s5 =	ssub.s32 $0x0, s20;
	[sflag:s22] =	ssyncset.done $0x0  }
0xa1: {  	[sflag:s22] =	ssyncadd.s32 s5;
	_ =	sdelay $0x1  }
0xa2: {  	s23 =	simm.s32 $0x1B8B  }
0xa3: {  	_ =	swait.ge [sflag:s23], $0x1  }
0xa4: {  	[sflag:s23] =	ssyncset.done $0x0  }
0xa5: {  	s25 =	simm.s32 $0x1B8E;
	s24 =	sld [smem:$0x3FFE];
	[sflag:s23] =	ssyncadd.s32 $0xFFFFFFFF  }
0xa6: {  	s26 =	simm.s32 $execute0_lowered;
	[smem:$0x3FD2] =	sst s25  }
0xa7: {  	s6 =	sshll.u32 s26, $0x1;
	_ =	strace $0x80000046;
	[dreg:$0x1] =	wrdreg $0xFFFFFFFF  }
0xa8: {  	s28 =	simm.s32 $_size_execute0_lowered;
	s4 =	sadd.s32 s4, s6;
	[dreg:$0x0] =	wrdreg $0x0  }
0xa9: {  	s6 =	sshll.u32 s28, $0x1;
	[dreg:$0x2] =	wrdreg s4  }
0xaa: {  	[dreg:$0x3] =	wrdreg s6  }
0xab: {  	[dreg:$0x4] =	wrdreg $0xC0  }
0xac: {  	_ =	task [dreg:s8], $0x5FFFF  }
0xad: {  	[dreg:$0x1] =	wrdreg $0xFFFFFFFF  }
0xae: {  	[dreg:$0x0] =	wrdreg $0x60  }
0xaf: {  	[dreg:$0x2] =	wrdreg s2  }
0xb0: {  	[dreg:$0x3] =	wrdreg s24  }
0xb1: {  	[dreg:$0x4] =	wrdreg s18  }
0xb2: {  	[dreg:$0x5] =	wrdreg $0xC7800  }
0xb3: {  	[dreg:$0x6] =	wrdreg $0x9  }
0xb4: {  	_ =	task.clear_ibuf [dreg:s8], $0x7FFFF;
	_ =	strace $0x90000046  }
0xb5: {  	s29 =	simm.s32 $0x9;
	_ =	strace $0x80000048  }
0xb6: {  	_ =	swait.ge [sflag:s29], $0x1  }
0xb7: {  	[sflag:s29] =	ssyncadd.s32 $0xFFFFFFFF  }
0xb8: {  	_ =	strace $0x90000048  }
0xb9: {  	_ =	sfence  }
0xba: {  	s30 =	sld [smem:$0x0];
	_ =	sdelay $0x2  }
0xbb: {  	s31 =	sshll.u32 s1, $0xD;
	s1 =	sshrl.u32 s1, $0x2  }
0xbc: {  	s3 =	sand.u32 $0x4000, s31;
	s1 =	sadd.s32 s1, s30  }
0xbd: {  	s0 =	sor.u32 s3, s0;
	s1 =	sshll.u32 s1, $0x11  }
0xbe: {  	s0 =	sor.u32 s1, s0  }
0xbf: {  	s0 =	sadd.s32 $0x8F2B, s0  }
0xc0: {  	[sflag:s0] =	ssyncadd.remote.s32 $0x1  }
0xc1: {  	_ =	sfence.sel $0xFFFF  }
0xc2: {  	[dreg:$0x0] =	wrdreg $0xFFFFFFFF;
	(pc) =	sbr.abs _section_cstart, $3  }
0xc3: {  	[dreg:$0x1] =	wrdreg $0xFFFFFFFF  }
0xc4: {  	_ =	task.clear_ibuf [dreg:s8], $0x2FFFF;
	_ =	strace $0x9FFFFFFF  }
0xc5: {  	(tm) =	ssettm $0x7FFFFFFF  }
tec
execute0_lowered:
.L_overlay_start_1:
0x0: {  	(tag) =	ssettag $0x1  }
0x1: {  	s1 =	rddreg [dreg:$0x0]  }
0x2: {  	s0 =	rddreg [dreg:$0x1]  }
0x3: {  	s2 =	rddreg [dreg:$0x2]  }
0x4: {  	s3 =	rddreg [dreg:$0x3]  }
0x5: {  	s5 =	srdreg.scid;
	s12 =	stileid.u32;
	s4 =	simm.s32 $0x0  }
0x6: {  	s29 =	simm.s32 $0x7780;
	s30 =	simm.s32 $0x3;
	s28 =	simm.s32 $0x4  }
0x7: {  	s31 =	simm.s32 $0x7;
	s5 =	sand.u32 $0x1, s5;
	s7 =	smul.u32 $0x4F000, s12  }
0x8: {  	s6 =	sshll.u32 s12, $0x1;
	[smem:$0x7FF] =	sst s4;
	s11 =	smul.u32 $0x2780, s12  }
0x9: {  	s19 =	sadd.s32 $0x25080, s1;
	s25 =	smul.u32 $0x4E200, s12;
	p0 =	seq.s32 s12, $0xF  }
0xa: {  	s6 =	sor.u32 s5, s6;
	s8 =	ssub.s32 $0x2, s5;
	s5 =	smul.u32 $0x27100, s5  }
0xb: {  	_ =	strace $0x80000047;
	[dreg:$0x6] =	wrdreg s19;
	s9 =	smul.u32 $0x2710, s6  }
0xc: {  	s10 =	sshrl.u32 s8, $0x1;
	s7 =	sshrl.u32 s7, $0x2;
	s17 =	smul.u32 $0x138800, s6  }
0xd: {  	s11 =	sadd.s32 s1, s11;
	s6 =	smul.u32 $0x27100, s6;
	s26 =	sadd.s32 s25, s2  }
0xe: {  	s25 =	simm.s32 $0x4F80;
	s8 =	ssub.s32 s8, s10;
	s7 =	sadd.s32 s7, s3  }
0xf: {  	[dreg:$0x5] =	wrdreg s11;
	s11 =	sadd.s32 $0x128400, s3;
	s9 =	sshrl.u32 s9, $0x3  }
0x10: {  	s18 =	sshrl.u32 s17, $0x3;
	s6 =	sadd.s32 s2, s6;
	s17 =	smax.u32 s8, $0x1  }
0x11: {  	s19 =	sshrl.u32 @p0 s11, $0x3;
	s8 =	simm.s32 $0x0;
	s0 =	sadd.s32 s0, s9  }
0x12: {  	s20 =	sadd.s32 s2, s18;
	[dreg:$0x8] =	wrdreg s6;
	s0 =	sadd.s32 $0xA040, s0  }
0x13: {  	s2 =	simm.s32 $0x6;
	s21 =	sadd.s32 $0x500, s20;
	[dreg:$0x7] =	wrdreg s0  }
0x14: {  	s6 =	simm.s32 $0x8;
	s22 =	sadd.s32 $0xA00, s20;
	[dreg:$0x9] =	wrdreg s21  }
0x15: {  	s23 =	sadd.s32 $0xF00, s20;
	s24 =	sadd.s32 $0x1400, s20;
	[dreg:$0xa] =	wrdreg s22  }
0x16: {  	s13 =	sadd.s32 $0x1900, s20;
	s14 =	sadd.s32 $0x26200, s20;
	[dreg:$0xb] =	wrdreg s23  }
0x17: {  	s15 =	sadd.s32 $0x26700, s20;
	s16 =	sadd.s32 $0x26C00, s20;
	[dreg:$0xc] =	wrdreg s24  }
0x18: {  	s0 =	sadd.s32 s5, s26;
	s21 =	sshrl.u32 @!p0 s7, $0x3;
	s22 =	simm.s32 $0x1  }
0x19: {  	s23 =	simm.s32 $0x50;
	s24 =	simm.s32 $0x2780;
	s26 =	simm.s32 $0x2  }
0x1a: {  	s5 =	simm.s32 $0x5;
	s18 =	sadd.s32 $0x1E00, s0;
	s0 =	sshll.u32 @!p0 s12, $0x6  }
0x1b: {  	s7 =	simm.s32 $0x9;
	s20 =	sor.u32 @!p0 $0x1C0A, s0;
	s0 =	simm.s32 $0x9F80  }
.LBB2_1:
0x1c: {  	s9 =	simm.s32 @p0 $0x1FCA;
	s10 =	rddreg [dreg:$0x6]  }
0x1d: {  	[spmem:s19], [sflag:s9] =	dma.local @p0 [hbm:s10], $0x2080  }
0x1e: {  	s9 =	rddreg [dreg:$0x5]  }
0x1f: {  	[spmem:s21], [sflag:s20] =	dma.local @!p0 [hbm:s9], $0x2780  }
0x20: {  	s9 =	rddreg [dreg:$0x7]  }
0x21: {  	[tilespmem:s4], [sflag:$0x1] =	stream.linear.gather [hbm4b:s9+s4], $0x2710, $0x38;
	v63 =	vld [tilespmem:$0x0]  }
0x22: {  	_ =	swait.ge [sflag:s22], $0x2710  }
0x23: {  	[sflag:s22] =	ssyncset.done $0x0  }
0x24: {  	[sflag:s22] =	ssyncadd.s32 $0xFFFFD8F0  }
0x25: {  	[tilespmem:s24], [sflag:$0x2] =	stream.indirect.gather [hbm4b:s1+s23], $0x80, s4, s23, $0xb8;
	v63 =	vld [tilespmem:$0x0]  }
0x26: {  	_ = 	snop  }
0x27: {  	[tilespmem:s25], [sflag:$0x3] =	stream.indirect.gather [hbm4b:s1+s23], $0x80, s23, s23, $0xb8;
	v63 =	vld [tilespmem:$0x0]  }
0x28: {  	_ =	swait.ge [sflag:s26], $0x2800  }
0x29: {  	[sflag:s26] =	ssyncset.done $0x0  }
0x2a: {  	s11 =	rddreg [dreg:$0x8];
	[sflag:s26] =	ssyncadd.s32 $0xFFFFD800  }
0x2b: {  	[hbm4b:s11+s4] =	stream.linear.scatter [tilespmem:s24], [sflag:$0x6], $0x2800, $0x38;
	v63 =	vld [tilespmem:$0x0]  }
0x2c: {  	s12 =	simm.s32 $0xA0  }
0x2d: {  	[tilespmem:s29], [sflag:$0x4] =	stream.indirect.gather [hbm4b:s1+s23], $0x80, s12, s23, $0xb8;
	v63 =	vld [tilespmem:$0x0]  }
0x2e: {  	_ =	swait.ge [sflag:s30], $0x2800  }
0x2f: {  	[sflag:s30] =	ssyncset.done $0x0  }
0x30: {  	s10 =	rddreg [dreg:$0x9];
	[sflag:s30] =	ssyncadd.s32 $0xFFFFD800  }
0x31: {  	[hbm4b:s10+s4] =	stream.linear.scatter [tilespmem:s25], [sflag:$0x7], $0x2800, $0x38;
	v63 =	vld [tilespmem:$0x0]  }
0x32: {  	s11 =	simm.s32 $0xF0  }
0x33: {  	[tilespmem:s0], [sflag:$0x5] =	stream.indirect.gather [hbm4b:s1+s23], $0x80, s11, s23, $0xb8;
	v63 =	vld [tilespmem:$0x0]  }
0x34: {  	_ =	swait.ge [sflag:s2], $0x2800  }
0x35: {  	[sflag:s2] =	ssyncset.done $0x0  }
0x36: {  	[sflag:s2] =	ssyncadd.s32 $0xFFFFD800  }
0x37: {  	_ =	swait.ge [sflag:s28], $0x2800  }
0x38: {  	[sflag:s28] =	ssyncset.done $0x0  }
0x39: {  	s12 =	rddreg [dreg:$0xa];
	[sflag:s28] =	ssyncadd.s32 $0xFFFFD800  }
0x3a: {  	[hbm4b:s12+s4] =	stream.linear.scatter [tilespmem:s29], [sflag:$0x8], $0x2800, $0x38;
	v63 =	vld [tilespmem:$0x0]  }
0x3b: {  	s10 =	simm.s32 $0x140  }
0x3c: {  	[tilespmem:s24], [sflag:$0x2] =	stream.indirect.gather [hbm4b:s1+s23], $0x80, s10, s23, $0xb8;
	v63 =	vld [tilespmem:$0x0]  }
0x3d: {  	_ =	swait.ge [sflag:s31], $0x2800  }
0x3e: {  	[sflag:s31] =	ssyncset.done $0x0  }
0x3f: {  	[sflag:s31] =	ssyncadd.s32 $0xFFFFD800  }
0x40: {  	_ =	swait.ge [sflag:s5], $0x2800  }
0x41: {  	[sflag:s5] =	ssyncset.done $0x0  }
0x42: {  	s11 =	rddreg [dreg:$0xb];
	[sflag:s5] =	ssyncadd.s32 $0xFFFFD800  }
0x43: {  	[hbm4b:s11+s4] =	stream.linear.scatter [tilespmem:s0], [sflag:$0x9], $0x2800, $0x38;
	v63 =	vld [tilespmem:$0x0]  }
0x44: {  	s12 =	simm.s32 $0x190  }
0x45: {  	[tilespmem:s25], [sflag:$0x3] =	stream.indirect.gather [hbm4b:s1+s23], $0x80, s12, s23, $0xb8;
	v63 =	vld [tilespmem:$0x0]  }
0x46: {  	_ =	swait.ge [sflag:s6], $0x2800  }
0x47: {  	[sflag:s6] =	ssyncset.done $0x0  }
0x48: {  	[sflag:s6] =	ssyncadd.s32 $0xFFFFD800  }
0x49: {  	_ =	swait.ge [sflag:s26], $0x2800  }
0x4a: {  	[sflag:s26] =	ssyncset.done $0x0  }
0x4b: {  	s10 =	rddreg [dreg:$0xc];
	[sflag:s26] =	ssyncadd.s32 $0xFFFFD800  }
0x4c: {  	[hbm4b:s10+s4] =	stream.linear.scatter [tilespmem:s24], [sflag:$0x6], $0x2800, $0x38;
	v63 =	vld [tilespmem:$0x0]  }
0x4d: {  	s11 =	simm.s32 $0x1E0  }
0x4e: {  	[tilespmem:s29], [sflag:$0x4] =	stream.indirect.gather [hbm4b:s1+s23], $0x80, s11, s23, $0xb8;
	v63 =	vld [tilespmem:$0x0]  }
0x4f: {  	_ =	swait.ge [sflag:s7], $0x2800  }
0x50: {  	[sflag:s7] =	ssyncset.done $0x0  }
0x51: {  	[sflag:s7] =	ssyncadd.s32 $0xFFFFD800  }
0x52: {  	_ =	swait.ge [sflag:s30], $0x2800  }
0x53: {  	[sflag:s30] =	ssyncset.done $0x0  }
0x54: {  	[sflag:s30] =	ssyncadd.s32 $0xFFFFD800  }
0x55: {  	[hbm4b:s13+s4] =	stream.linear.scatter [tilespmem:s25], [sflag:$0x7], $0x2800, $0x38;
	v63 =	vld [tilespmem:$0x0]  }
0x56: {  	s9 =	simm.s32 @p0 $0xA;
	s12 =	simm.s32 $0x230  }
0x57: {  	[tilespmem:s0], [sflag:$0x5] =	stream.indirect.gather [hbm4b:s1+s23], $0x80, s12, s23, $0xb8;
	v63 =	vld [tilespmem:$0x0]  }
0x58: {  	_ =	swait.ge @p0 [sflag:s9], $0x2080  }
0x59: {  	[sflag:s9] =	ssyncset.done @p0 $0x0  }
0x5a: {  	[sflag:s9] =	ssyncadd.s32 @p0 $0xFFFFDF80;
	s9 =	simm.s32 @!p0 $0xA  }
0x5b: {  	_ =	swait.ge @!p0 [sflag:s9], $0x2780  }
0x5c: {  	[sflag:s9] =	ssyncset.done @!p0 $0x0  }
0x5d: {  	[sflag:s9] =	ssyncadd.s32 @!p0 $0xFFFFD880  }
0x5e: {  	[bflag:$0x0] =	sbarrier.arrive $0xFFFF  }
0x5f: {  	_ =	swait.ge [sflag:s2], $0x2800  }
0x60: {  	[sflag:s2] =	ssyncset.done $0x0  }
0x61: {  	[sflag:s2] =	ssyncadd.s32 $0xFFFFD800  }
0x62: {  	_ =	swait.ge [sflag:s28], $0x2800  }
0x63: {  	[sflag:s28] =	ssyncset.done $0x0  }
0x64: {  	[sflag:s28] =	ssyncadd.s32 $0xFFFFD800  }
0x65: {  	[hbm4b:s18+s4] =	stream.linear.scatter [tilespmem:s29], [sflag:$0x8], $0x2800, $0x38;
	v63 =	vld [tilespmem:$0x0]  }
0x66: {  	s10 =	simm.s32 $0x280  }
0x67: {  	[tilespmem:s24], [sflag:$0x2] =	stream.indirect.gather [spmem:s3], $0x80, s10, s23, $0xb8;
	v63 =	vld [tilespmem:$0x0]  }
0x68: {  	_ =	swait.ge [sflag:s31], $0x2800  }
0x69: {  	[sflag:s31] =	ssyncset.done $0x0  }
0x6a: {  	[sflag:s31] =	ssyncadd.s32 $0xFFFFD800  }
0x6b: {  	_ =	swait.ge [sflag:s5], $0x2800  }
0x6c: {  	[sflag:s5] =	ssyncset.done $0x0  }
0x6d: {  	s11 =	sadd.s32 $0x500, s18;
	[sflag:s5] =	ssyncadd.s32 $0xFFFFD800  }
0x6e: {  	[hbm4b:s11+s4] =	stream.linear.scatter [tilespmem:s0], [sflag:$0x9], $0x2800, $0x38;
	v63 =	vld [tilespmem:$0x0]  }
0x6f: {  	s12 =	simm.s32 $0x2D0  }
0x70: {  	[tilespmem:s25], [sflag:$0x3] =	stream.indirect.gather [spmem:s3], $0x80, s12, s23, $0xb8;
	v63 =	vld [tilespmem:$0x0]  }
0x71: {  	_ =	swait.ge [sflag:s6], $0x2800  }
0x72: {  	[sflag:s6] =	ssyncset.done $0x0  }
0x73: {  	[sflag:s6] =	ssyncadd.s32 $0xFFFFD800  }
0x74: {  	_ =	swait.ge [sflag:s26], $0x2800  }
0x75: {  	[sflag:s26] =	ssyncset.done $0x0  }
0x76: {  	s10 =	sadd.s32 $0xA00, s18;
	[sflag:s26] =	ssyncadd.s32 $0xFFFFD800  }
0x77: {  	[hbm4b:s10+s4] =	stream.linear.scatter [tilespmem:s24], [sflag:$0x6], $0x2800, $0x38;
	v63 =	vld [tilespmem:$0x0]  }
0x78: {  	s11 =	simm.s32 $0x320  }
0x79: {  	[tilespmem:s29], [sflag:$0x4] =	stream.indirect.gather [spmem:s3], $0x80, s11, s23, $0xb8;
	v63 =	vld [tilespmem:$0x0]  }
0x7a: {  	_ =	swait.ge [sflag:s7], $0x2800  }
0x7b: {  	[sflag:s7] =	ssyncset.done $0x0  }
0x7c: {  	[sflag:s7] =	ssyncadd.s32 $0xFFFFD800  }
0x7d: {  	_ =	swait.ge [sflag:s30], $0x2800  }
0x7e: {  	s9 =	simm.s32 $0x500;
	s12 =	sadd.s32 $0xF00, s18;
	[sflag:s30] =	ssyncset.done $0x0  }
0x7f: {  	s10 =	sadd.s32 $0x1400, s18;
	s11 =	simm.s32 $0x370;
	[sflag:s30] =	ssyncadd.s32 $0xFFFFD800  }
0x80: {  	[hbm4b:s12+s4] =	stream.linear.scatter [tilespmem:s25], [sflag:$0x7], $0x2800, $0x38;
	v63 =	vld [tilespmem:$0x0]  }
.LBB2_2:
0x81: {  	[tilespmem:s0], [sflag:$0x5] =	stream.indirect.gather [spmem:s3], $0x80, s11, s23, $0xb8;
	v63 =	vld [tilespmem:$0x0]  }
0x82: {  	s11 =	smov.u32 s9  }
0x83: {  	p1 =	sne.s32 s9, $0x8C00;
	s9 =	sadd.s32 $0x500, s9;
	_ =	swait.ge [sflag:s2], $0x2800  }
0x84: {  	[sflag:s2] =	ssyncset.done $0x0  }
0x85: {  	[sflag:s2] =	ssyncadd.s32 $0xFFFFD800  }
0x86: {  	_ =	swait.ge [sflag:s28], $0x2800  }
0x87: {  	[sflag:s28] =	ssyncset.done $0x0  }
0x88: {  	s11 =	sshra.s32 s11, $0x2;
	[sflag:s28] =	ssyncadd.s32 $0xFFFFD800  }
0x89: {  	[hbm4b:s10+s4] =	stream.linear.scatter [tilespmem:s29], [sflag:$0x8], $0x2800, $0x38;
	v63 =	vld [tilespmem:$0x0]  }
0x8a: {  	s12 =	sadd.s32 $0x280, s11  }
0x8b: {  	[tilespmem:s24], [sflag:$0x2] =	stream.indirect.gather [spmem:s3], $0x80, s12, s23, $0xb8;
	v63 =	vld [tilespmem:$0x0]  }
0x8c: {  	_ =	swait.ge [sflag:s31], $0x2800  }
0x8d: {  	[sflag:s31] =	ssyncset.done $0x0  }
0x8e: {  	[sflag:s31] =	ssyncadd.s32 $0xFFFFD800  }
0x8f: {  	_ =	swait.ge [sflag:s5], $0x2800  }
0x90: {  	[sflag:s5] =	ssyncset.done $0x0  }
0x91: {  	s12 =	sadd.s32 $0x500, s10;
	[sflag:s5] =	ssyncadd.s32 $0xFFFFD800  }
0x92: {  	[hbm4b:s12+s4] =	stream.linear.scatter [tilespmem:s0], [sflag:$0x9], $0x2800, $0x38;
	v63 =	vld [tilespmem:$0x0]  }
0x93: {  	s12 =	sadd.s32 $0x2D0, s11  }
0x94: {  	[tilespmem:s25], [sflag:$0x3] =	stream.indirect.gather [spmem:s3], $0x80, s12, s23, $0xb8;
	v63 =	vld [tilespmem:$0x0]  }
0x95: {  	_ =	swait.ge [sflag:s6], $0x2800  }
0x96: {  	[sflag:s6] =	ssyncset.done $0x0  }
0x97: {  	[sflag:s6] =	ssyncadd.s32 $0xFFFFD800  }
0x98: {  	_ =	swait.ge [sflag:s26], $0x2800  }
0x99: {  	[sflag:s26] =	ssyncset.done $0x0  }
0x9a: {  	s12 =	sadd.s32 $0xA00, s10;
	[sflag:s26] =	ssyncadd.s32 $0xFFFFD800  }
0x9b: {  	[hbm4b:s12+s4] =	stream.linear.scatter [tilespmem:s24], [sflag:$0x6], $0x2800, $0x38;
	v63 =	vld [tilespmem:$0x0]  }
0x9c: {  	s12 =	sadd.s32 $0x320, s11  }
0x9d: {  	[tilespmem:s29], [sflag:$0x4] =	stream.indirect.gather [spmem:s3], $0x80, s12, s23, $0xb8;
	v63 =	vld [tilespmem:$0x0]  }
0x9e: {  	_ =	swait.ge [sflag:s7], $0x2800  }
0x9f: {  	[sflag:s7] =	ssyncset.done $0x0  }
0xa0: {  	[sflag:s7] =	ssyncadd.s32 $0xFFFFD800  }
.Ltmp0:
0xa1: {  	_ =	swait.ge [sflag:s30], $0x2800;
	(pc) =	sbr.rel @p1 .LBB2_2-.Ltmp0, $4  }
0xa2: {  	[sflag:s30] =	ssyncset.done $0x0  }
0xa3: {  	s12 =	sadd.s32 $0xF00, s10;
	[sflag:s30] =	ssyncadd.s32 $0xFFFFD800  }
0xa4: {  	[hbm4b:s12+s4] =	stream.linear.scatter [tilespmem:s25], [sflag:$0x7], $0x2800, $0x38;
	v63 =	vld [tilespmem:$0x0]  }
0xa5: {  	s11 =	sadd.s32 $0x370, s11;
	s10 =	sadd.s32 $0x1400, s10  }
0xa6: {  	[tilespmem:s0], [sflag:$0x5] =	stream.indirect.gather [spmem:s3], $0x80, s11, s23, $0xb8;
	v63 =	vld [tilespmem:$0x0]  }
0xa7: {  	_ =	swait.ge [sflag:s28], $0x2800  }
0xa8: {  	[sflag:s28] =	ssyncset.done $0x0  }
0xa9: {  	[sflag:s28] =	ssyncadd.s32 $0xFFFFD800  }
0xaa: {  	[hbm4b:s14+s4] =	stream.linear.scatter [tilespmem:s29], [sflag:$0x8], $0x2800, $0x38;
	v63 =	vld [tilespmem:$0x0]  }
0xab: {  	_ =	swait.ge [sflag:s2], $0x2800  }
0xac: {  	[sflag:s2] =	ssyncset.done $0x0  }
0xad: {  	s9 =	simm.s32 $0x26C0;
	[sflag:s2] =	ssyncadd.s32 $0xFFFFD800  }
0xae: {  	[tilespmem:s24], [sflag:$0x2] =	stream.indirect.gather [spmem:s3], $0x80, s9, s23, $0xb8;
	v63 =	vld [tilespmem:$0x0]  }
0xaf: {  	_ =	swait.ge [sflag:s5], $0x2800  }
0xb0: {  	[sflag:s5] =	ssyncset.done $0x0  }
0xb1: {  	[sflag:s5] =	ssyncadd.s32 $0xFFFFD800  }
0xb2: {  	[hbm4b:s15+s4] =	stream.linear.scatter [tilespmem:s0], [sflag:$0x9], $0x2800, $0x38;
	v63 =	vld [tilespmem:$0x0]  }
0xb3: {  	_ =	swait.ge [sflag:s26], $0x2800  }
0xb4: {  	[sflag:s26] =	ssyncset.done $0x0  }
0xb5: {  	[sflag:s26] =	ssyncadd.s32 $0xFFFFD800  }
0xb6: {  	[hbm4b:s16+s4] =	stream.linear.scatter [tilespmem:s24], [sflag:$0x6], $0x2800, $0x38;
	v63 =	vld [tilespmem:$0x0]  }
0xb7: {  	_ =	swait.ge [sflag:s31], $0x2800  }
0xb8: {  	[sflag:s31] =	ssyncset.done $0x0  }
0xb9: {  	[sflag:s31] =	ssyncadd.s32 $0xFFFFD800  }
0xba: {  	_ =	swait.ge [sflag:s6], $0x2800  }
0xbb: {  	[sflag:s6] =	ssyncset.done $0x0  }
0xbc: {  	s8 =	sadd.s32 $0x1, s8;
	[sflag:s6] =	ssyncadd.s32 $0xFFFFD800  }
0xbd: {  	p1 =	sne.s32 s8, s17;
	_ =	swait.ge [sflag:s7], $0x2800  }
.Ltmp1:
0xbe: {  	[sflag:s7] =	ssyncset.done $0x0;
	(pc) =	sbr.rel @p1 .LBB2_1-.Ltmp1, $4  }
0xbf: {  	[sflag:s7] =	ssyncadd.s32 $0xFFFFD800  }
0xc0: {  	_ =	swait.ge [sflag:s2], $0x2800  }
0xc1: {  	[sflag:s2] =	ssyncset.done $0x0  }
0xc2: {  	[sflag:s2] =	ssyncadd.s32 $0xFFFFD800  }
0xc3: {  	_ =	sfence.sel $0x180000  }
0xc4: {  	[bflag:$0x0] =	sbarrier.arrive $0xFFFF  }
0xc5: {  	_ =	strace $0x90000047  }
0xc6: {  	s0 =	stileid.u32;
	[bflag:$0x2] =	sbarrier.arrive $0xFFFF  }
0xc7: {  	p0 =	sne.s32 s0, $0x0;
	s0 =	rddreg [dreg:$0x4]  }
0xc8: {  	s0 =	sadd.s32 @!p0 $0x100000, s0  }
0xc9: {  	[sflag:s0] =	ssyncadd.tile.s32 @!p0 $0x1;
	_ =	shalt  }
.Lfunc_end2:
_tile_overlayer_lowered:
.L_overlay_start_2:
0xca: {  	(tag) =	ssettag $0x2  }
0xcb: {  	s0 =	rddreg [dreg:$0x0];
	s2 =	stileid.u32  }
0xcc: {  	s1 =	rddreg [dreg:$0x1];
	p0 =	sne.s32 s2, $0x0  }
0xcd: {  	s3 =	rddreg [dreg:$0x2];
	[bflag:$0x3] =	sbarrier.arrive $0xFFFF;
	s2 =	simm.s32 @!p0 $0x1C0B  }
0xce: {  	[timem:s3], [sflag:s2] =	dma.local @!p0 [hbm:s0], s1  }
0xcf: {  	s0 =	simm.s32 @!p0 $0xB  }
0xd0: {  	_ =	swait.ge @!p0 [sflag:s0], s1  }
0xd1: {  	s1 =	ssub.s32 @!p0 $0x0, s1;
	[sflag:s0] =	ssyncset.done @!p0 $0x0  }
0xd2: {  	[sflag:s0] =	ssyncadd.s32 @!p0 s1  }
0xd3: {  	[bflag:$0x3] =	sbarrier.arrive $0xFFFF  }
0xd4: {  	_ =	shalt  }

</sc_bundles>
